<compile_context>
chip_gen: v7x
topology: tpu7x:2x2x1
jax: 0.10.2.dev20260603
libtpu: 0.0.44.dev20260713+nightly
codegen_flags: <defaults>
</compile_context>

<pallas_src>
import jax
import jax.numpy as jnp
from jax import lax
from jax.experimental import pallas as pl
from jax.experimental.pallas import tpu as pltpu
from jax.experimental.pallas import tpu_sc as plsc

N = 10000
D = 128
DH = 512
E = 160000
NC = 2
NS = 16
L = 16
K = 48
G = 4
R = G + 2
ER = G + 3
CT = -(-(E // NS) // K)
EP = NS * CT * K
NP = 10112
DUMMY = N
RPT = NP // NS
DG = 80
BN = 2000


def _pad_edges(idx):
    pad = jnp.full((EP - E,), DUMMY, jnp.int32)
    return jnp.concatenate([idx, pad]).reshape(NS, CT, K)


def _prop_loop(hbm_src, eidx, c, s, ebuf, rowbuf, acc_sh,
               sem_i, sem_g, sem_s, g_row, s_row, hist_fn):
    for p in range(G + 1):
        pltpu.async_copy(eidx.at[c, s, p], ebuf.at[p % ER], sem_i)
    for p in range(G):
        pltpu.make_async_copy(
            eidx.at[c, s, p], ebuf.at[p % ER], sem_i).wait()
        pltpu.async_copy(
            hbm_src.at[ebuf.at[p % ER, g_row]], rowbuf.at[p % R], sem_g)

    def chunk(j, carry):
        b = lax.rem(j, R)
        e = lax.rem(j, ER)
        pltpu.make_async_copy(
            hbm_src.at[ebuf.at[e, g_row]], rowbuf.at[b], sem_g).wait()
        pltpu.async_copy(rowbuf.at[b], acc_sh.at[ebuf.at[e, s_row]], sem_s,
                         add=True)

        @pl.when(j >= 2)
        def _():
            bm2 = lax.rem(j + R - 2, R)
            em2 = lax.rem(j + ER - 2, ER)
            pltpu.make_async_copy(
                rowbuf.at[bm2], acc_sh.at[ebuf.at[em2, s_row]], sem_s).wait()

        @pl.when(j + G + 1 < CT)
        def _():
            e3 = lax.rem(j + G + 1, ER)
            pltpu.async_copy(eidx.at[c, s, j + G + 1], ebuf.at[e3], sem_i)

        @pl.when(j + G < CT)
        def _():
            b2 = lax.rem(j + G, R)
            e2 = lax.rem(j + G, ER)
            pltpu.make_async_copy(
                eidx.at[c, s, j + G], ebuf.at[e2], sem_i).wait()
            pltpu.async_copy(
                hbm_src.at[ebuf.at[e2, g_row]], rowbuf.at[b2], sem_g)

        hist_fn(e)
        return carry

    lax.fori_loop(0, CT, chunk, 0)
    for p in (CT - 2, CT - 1):
        pltpu.make_async_copy(
            rowbuf.at[p % R], acc_sh.at[ebuf.at[p % ER, s_row]],
            sem_s).wait()


def _sc1_body(x_hbm, eidx, zeros_h, iota_h,
              acc_out, degA_out,
              ebuf, rowbuf, degA_t, iota_t,
              acc_sh, dA_sh, sem_i, sem_g, sem_s):
    c = lax.axis_index("c")
    s = lax.axis_index("s")
    pltpu.sync_copy(iota_h, iota_t)
    pltpu.sync_copy(zeros_h.at[pl.ds(0, DG)], degA_t)
    base = s * RPT
    pltpu.sync_copy(zeros_h.at[pl.ds(0, RPT)], acc_sh.at[pl.ds(base, RPT)])

    @pl.when(s < DG // 8)
    def _():
        pltpu.sync_copy(zeros_h.at[pl.ds(0, 8)], dA_sh.at[pl.ds(s * 8, 8)])

    plsc.subcore_barrier()

    def hist(b):
        for v in range(K // L):
            dv = ebuf[b, 1, pl.ds(v * L, L)]
            cnt, last = plsc.scan_count(dv)
            plsc.addupdate_scatter(
                degA_t,
                [lax.shift_right_logical(dv, 7), jnp.bitwise_and(dv, 127)],
                cnt.astype(jnp.float32), mask=last)

    _prop_loop(x_hbm, eidx, c, s, ebuf, rowbuf, acc_sh,
               sem_i, sem_g, sem_s, 0, 1, hist)
    pltpu.sync_copy(degA_t, dA_sh.at[iota_t.at[0]], add=True)
    plsc.subcore_barrier()
    pltpu.sync_copy(acc_sh.at[pl.ds(base, RPT)], acc_out.at[c, pl.ds(base, RPT)])

    @pl.when(s < DG // 8)
    def _():
        pltpu.sync_copy(dA_sh.at[pl.ds(s * 8, 8)], degA_out.at[c, pl.ds(s * 8, 8)])


def _sc2_body(s2_hbm, eidx, zeros_h, iota_h,
              acc_out, degR_out,
              ebuf, rowbuf, degR_t, iota_t, acc_sh, dR_sh,
              sem_i, sem_g, sem_s):
    c = lax.axis_index("c")
    s = lax.axis_index("s")
    pltpu.sync_copy(iota_h, iota_t)
    pltpu.sync_copy(zeros_h.at[pl.ds(0, DG)], degR_t)
    base = s * RPT
    pltpu.sync_copy(zeros_h.at[pl.ds(0, RPT)], acc_sh.at[pl.ds(base, RPT)])

    @pl.when(s < DG // 8)
    def _():
        pltpu.sync_copy(zeros_h.at[pl.ds(0, 8)], dR_sh.at[pl.ds(s * 8, 8)])

    plsc.subcore_barrier()

    def hist(b):
        for v in range(K // L):
            sv = ebuf[b, 0, pl.ds(v * L, L)]
            cnt, last = plsc.scan_count(sv)
            plsc.addupdate_scatter(
                degR_t,
                [lax.shift_right_logical(sv, 7), jnp.bitwise_and(sv, 127)],
                cnt.astype(jnp.float32), mask=last)

    _prop_loop(s2_hbm, eidx, c, s, ebuf, rowbuf, acc_sh,
               sem_i, sem_g, sem_s, 1, 0, hist)
    pltpu.sync_copy(degR_t, dR_sh.at[iota_t.at[0]], add=True)
    plsc.subcore_barrier()
    pltpu.sync_copy(acc_sh.at[pl.ds(base, RPT)], acc_out.at[c, pl.ds(base, RPT)])

    @pl.when(s < DG // 8)
    def _():
        pltpu.sync_copy(dR_sh.at[pl.ds(s * 8, 8)], degR_out.at[c, pl.ds(s * 8, 8)])


def _sc_mesh():
    return plsc.VectorSubcoreMesh(
        core_axis_name="c", subcore_axis_name="s", num_cores=NC, num_subcores=NS)


def _sc1(x, eidx, zeros_h, iota_h):
    return pl.kernel(
        _sc1_body,
        out_type=[
            jax.ShapeDtypeStruct((NC, NP, D), jnp.float32),
            jax.ShapeDtypeStruct((NC, DG, 128), jnp.float32),
        ],
        mesh=_sc_mesh(),
        scratch_types=[
            pltpu.VMEM((ER, 2, K), jnp.int32),
            pltpu.VMEM((R, K, D), jnp.float32),
            pltpu.VMEM((DG, 128), jnp.float32),
            pltpu.VMEM((1, DG), jnp.int32),
            pltpu.VMEM_SHARED((NP, D), jnp.float32),
            pltpu.VMEM_SHARED((DG, 128), jnp.float32),
            pltpu.SemaphoreType.DMA,
            pltpu.SemaphoreType.DMA,
            pltpu.SemaphoreType.DMA,
        ],
        compiler_params=pltpu.CompilerParams(needs_layout_passes=False),
        name="gcn_sc_prop1",
    )(x, eidx, zeros_h, iota_h)


def _sc2(s2, eidx, zeros_h, iota_h):
    return pl.kernel(
        _sc2_body,
        out_type=[
            jax.ShapeDtypeStruct((NC, NP, D), jnp.float32),
            jax.ShapeDtypeStruct((NC, DG, 128), jnp.float32),
        ],
        mesh=_sc_mesh(),
        scratch_types=[
            pltpu.VMEM((ER, 2, K), jnp.int32),
            pltpu.VMEM((R, K, D), jnp.float32),
            pltpu.VMEM((DG, 128), jnp.float32),
            pltpu.VMEM((1, DG), jnp.int32),
            pltpu.VMEM_SHARED((NP, D), jnp.float32),
            pltpu.VMEM_SHARED((DG, 128), jnp.float32),
            pltpu.SemaphoreType.DMA,
            pltpu.SemaphoreType.DMA,
            pltpu.SemaphoreType.DMA,
        ],
        compiler_params=pltpu.CompilerParams(needs_layout_passes=False),
        name="gcn_sc_prop2",
    )(s2, eidx, zeros_h, iota_h)


def _softmax2(att_ref):
    ar = att_ref[...]
    m = jnp.maximum(ar[0, 0], ar[0, 1])
    e0 = jnp.exp(ar[0, 0] - m)
    e1 = jnp.exp(ar[0, 1] - m)
    return e0 / (e0 + e1), e1 / (e0 + e1)


def _combine(acc_ref, deg_ref, a0, a1):
    dd = deg_ref[...]
    d0 = dd[0]
    d1 = dd[1]
    inv0 = jnp.where(d0 > 0, a0 / jnp.where(d0 > 0, d0, 1.0), 0.0)
    inv1 = jnp.where(d1 > 0, a1 / jnp.where(d1 > 0, d1, 1.0), 0.0)
    z = acc_ref[0] * inv0 + acc_ref[1] * inv1
    cmask = jnp.where(d0 > 0, a0, 0.0) + jnp.where(d1 > 0, a1, 0.0)
    return z, cmask


def _tc1_body(acc_ref, deg_ref, att_ref, w1_ref, b1_ref, w2_ref, b2_ref, out_ref):
    a0, a1 = _softmax2(att_ref)
    z, cmask = _combine(acc_ref, deg_ref, a0, a1)
    h = jnp.dot(z, w1_ref[...], preferred_element_type=jnp.float32)
    h = h + cmask * b1_ref[...]
    h = jnp.where(h > 0, h, 0.2 * h)
    s2 = jnp.dot(h, w2_ref[...], preferred_element_type=jnp.float32)
    out_ref[...] = s2 + b2_ref[...]


def _tc1(acc, deg, att, W1, b1, W2, b2):
    return pl.pallas_call(
        _tc1_body,
        grid=(N // BN,),
        in_specs=[
            pl.BlockSpec((NC, BN, D), lambda i: (0, i, 0)),
            pl.BlockSpec((NC, BN, 1), lambda i: (0, i, 0)),
            pl.BlockSpec((1, 2), lambda i: (0, 0)),
            pl.BlockSpec((D, DH), lambda i: (0, 0)),
            pl.BlockSpec((1, DH), lambda i: (0, 0)),
            pl.BlockSpec((DH, D), lambda i: (0, 0)),
            pl.BlockSpec((1, D), lambda i: (0, 0)),
        ],
        out_specs=pl.BlockSpec((BN, D), lambda i: (i, 0)),
        out_shape=jax.ShapeDtypeStruct((NP, D), jnp.float32),
        name="gcn_tc_dense",
    )(acc, deg, att, W1, b1, W2, b2)


def _tc2_body(acc_ref, deg_ref, att_ref, out_ref):
    a0, a1 = _softmax2(att_ref)
    o, _ = _combine(acc_ref, deg_ref, a0, a1)
    nrm = jnp.maximum(jnp.sqrt(jnp.sum(o * o, axis=1, keepdims=True)), 1e-12)
    out_ref[...] = o / nrm


def _tc2(acc, deg, att):
    return pl.pallas_call(
        _tc2_body,
        grid=(N // BN,),
        in_specs=[
            pl.BlockSpec((NC, BN, D), lambda i: (0, i, 0)),
            pl.BlockSpec((NC, BN, 1), lambda i: (0, i, 0)),
            pl.BlockSpec((1, 2), lambda i: (0, 0)),
        ],
        out_specs=pl.BlockSpec((BN, D), lambda i: (i, 0)),
        out_shape=jax.ShapeDtypeStruct((N, D), jnp.float32),
        name="gcn_tc_norm",
    )(acc, deg, att)


def _deg_to_col(deg):
    return deg.reshape(NC, DG * 128, 1)


def kernel(x, W1, b1, W2, b2, a_att, r_att, src0, dst0, src1, dst1):
    eidx = jnp.stack([
        jnp.stack([_pad_edges(src0), _pad_edges(dst0)], axis=2),
        jnp.stack([_pad_edges(src1), _pad_edges(dst1)], axis=2),
    ])
    x_pad = jnp.concatenate([x, jnp.zeros((NP - N, D), jnp.float32)])
    zeros_h = jnp.zeros((RPT, D), jnp.float32)
    iota_h = jnp.arange(DG, dtype=jnp.int32).reshape(1, DG)

    accA, degA = _sc1(x_pad, eidx, zeros_h, iota_h)
    s2 = _tc1(accA, _deg_to_col(degA), a_att.reshape(1, 2), W1,
              b1.reshape(1, DH), W2, b2.reshape(1, D))
    accR, degR = _sc2(s2, eidx, zeros_h, iota_h)
    return _tc2(accR, _deg_to_col(degR), r_att.reshape(1, 2))

# --- scband reference (transcript-rebuilt; emitter-appended) ---
"""Pipeline reference for scband-gcn-dense-att-6176162972210 (READ-ONLY COPY).

The authoritative reference and input builder live on the scoring server;
editing this copy changes nothing except your own understanding.
"""

import jax, jax.numpy as jnp
import numpy as np

N = 10000
D_IN = 128
D_HID = 512
D_OUT = 128
E = 160000  # edges per relation set; 2 sets


def _xavier_uniform(key, fan_in, fan_out):
    limit = float(np.sqrt(6.0 / (fan_in + fan_out)))
    return jax.random.uniform(key, (fan_in, fan_out), jnp.float32, -limit, limit)


def setup_inputs(seed: int = 0) -> dict:
    key = jax.random.key(seed)
    ks = jax.random.split(key, 8)
    x = jax.random.normal(ks[0], (N, D_IN), jnp.float32)
    src0 = jax.random.randint(ks[1], (E,), 0, N, jnp.int32)
    dst0 = jax.random.randint(ks[2], (E,), 0, N, jnp.int32)
    src1 = jax.random.randint(ks[3], (E,), 0, N, jnp.int32)
    dst1 = jax.random.randint(ks[4], (E,), 0, N, jnp.int32)
    W1 = _xavier_uniform(ks[5], D_IN, D_HID)
    b1 = jnp.zeros((D_HID,), jnp.float32)
    W2 = _xavier_uniform(ks[6], D_HID, D_OUT)
    b2 = jnp.zeros((D_OUT,), jnp.float32)
    a_att = jnp.ones((2,), jnp.float32)
    r_att = jnp.ones((2,), jnp.float32)
    return {"x": x, "W1": W1, "b1": b1, "W2": W2, "b2": b2,
            "a_att": a_att, "r_att": r_att,
            "src0": src0, "dst0": dst0, "src1": src1, "dst1": dst1}


def _a_prop(support, src, dst, n):
    # a_adj = D_in^{-1} A^T : out[i] = mean over edges (j->i) of support[j]
    num = jax.ops.segment_sum(support[src], dst, num_segments=n)
    deg = jax.ops.segment_sum(jnp.ones((src.shape[0],), support.dtype), dst, num_segments=n)
    inv = jnp.where(deg > 0, 1.0 / jnp.where(deg > 0, deg, 1.0), 0.0)
    return num * inv[:, None]


def _r_prop(support, src, dst, n):
    # r_adj = D_out^{-1} A : out[i] = mean over edges (i->j) of support[j]
    num = jax.ops.segment_sum(support[dst], src, num_segments=n)
    deg = jax.ops.segment_sum(jnp.ones((src.shape[0],), support.dtype), src, num_segments=n)
    inv = jnp.where(deg > 0, 1.0 / jnp.where(deg > 0, deg, 1.0), 0.0)
    return num * inv[:, None]


def reference(x, W1, b1, W2, b2, a_att, r_att, src0, dst0, src1, dst1):
    n = x.shape[0]
    # layer 1 (graph side: a_adj set), dropout is identity in eval mode
    att_a = jax.nn.softmax(a_att, axis=0)
    s1 = x @ W1 + b1
    h = att_a[0] * _a_prop(s1, src0, dst0, n) + att_a[1] * _a_prop(s1, src1, dst1, n)
    h = jax.nn.leaky_relu(h, negative_slope=0.2)
    # layer 2 (reverse side: r_adj set), relu=False
    att_r = jax.nn.softmax(r_att, axis=0)
    s2 = h @ W2 + b2
    o = att_r[0] * _r_prop(s2, src0, dst0, n) + att_r[1] * _r_prop(s2, src1, dst1, n)
    # F.normalize(x): row-wise L2 normalization with eps=1e-12
    nrm = jnp.maximum(jnp.linalg.norm(o, axis=1, keepdims=True), 1e-12)
    return o / nrm

if __name__ == "__main__":
    import jax
    _d = setup_inputs()
    print(jax.jit(kernel)(*tuple(_d.values())))

</pallas_src>

<mosaic_0001>
#map = affine_map<(d0, d1) -> (0, 0)>
#map1 = affine_map<(d0, d1) -> (0, 0, 0, 0, 0)>
#map2 = affine_map<(d0, d1) -> (0, 0, 0)>
module attributes {stable_mosaic.version = 14 : i64} {
  func.func @gcn_sc_prop1(%arg0: i32, %arg1: i32, %arg2: memref<10112x128xf32, #tpu.memory_space<hbm>>, %arg3: memref<2x16x209x2x48xi32, #tpu.memory_space<hbm>>, %arg4: memref<632x128xf32, #tpu.memory_space<hbm>>, %arg5: memref<1x80xi32, #tpu.memory_space<hbm>>, %arg6: memref<2x10112x128xf32, #tpu.memory_space<hbm>>, %arg7: memref<2x80x128xf32, #tpu.memory_space<hbm>>, %arg8: memref<7x2x48xi32, #tpu.memory_space<vmem>>, %arg9: memref<6x48x128xf32, #tpu.memory_space<vmem>>, %arg10: memref<80x128xf32, #tpu.memory_space<vmem>>, %arg11: memref<1x80xi32, #tpu.memory_space<vmem>>, %arg12: memref<10112x128xf32, #tpu.memory_space<vmem_shared>>, %arg13: memref<80x128xf32, #tpu.memory_space<vmem_shared>>, %arg14: memref<!tpu.dma_semaphore, #tpu.memory_space<semaphore_mem>>, %arg15: memref<!tpu.dma_semaphore, #tpu.memory_space<semaphore_mem>>, %arg16: memref<!tpu.dma_semaphore, #tpu.memory_space<semaphore_mem>>) attributes {dimension_semantics = [#tpu.dimension_semantics<core_parallel>, #tpu.dimension_semantics<subcore_parallel>], iteration_bounds = array<i64: 2, 16>, scalar_prefetch = 0 : i64, scratch_operands = 9 : i64, tpu.core_type = #tpu.core_type<sc_vector_subcore>, window_params = [{transform_indices = #map}, {transform_indices = #map1}, {transform_indices = #map}, {transform_indices = #map}, {transform_indices = #map2}, {transform_indices = #map2}]} {
    "tpu.region"() ({
      %run_scoped3A_252 = tpu.sem_alloc : memref<!tpu.dma_semaphore, #tpu.memory_space<semaphore_mem>>
      tpu.enqueue_dma source(%arg5 : memref<1x80xi32, #tpu.memory_space<hbm>>) target(%arg11 : memref<1x80xi32, #tpu.memory_space<vmem>>) target_semaphore(%run_scoped3A_252 : memref<!tpu.dma_semaphore, #tpu.memory_space<semaphore_mem>>)
      tpu.wait_dma2 semaphore(%run_scoped3A_252 : memref<!tpu.dma_semaphore, #tpu.memory_space<semaphore_mem>>) src(%arg5 : memref<1x80xi32, #tpu.memory_space<hbm>>) dst(%arg11 : memref<1x80xi32, #tpu.memory_space<vmem>>)
      tpu.yield
    }) : () -> ()
    "tpu.region"() ({
      %run_scoped3A_252 = tpu.sem_alloc : memref<!tpu.dma_semaphore, #tpu.memory_space<semaphore_mem>>
      %dma_start3A_253 = arith.constant 0 : i32
      %dma_start3A_254 = arith.constant 0 : i32
      %dma_start3A_255 = tpu.memref_slice %arg4[%dma_start3A_253, %dma_start3A_254] : memref<632x128xf32, #tpu.memory_space<hbm>> -> memref<80x128xf32, #tpu.memory_space<hbm>>
      %dma_start3A_256 = arith.constant 0 : i32
      %dma_start3A_257 = arith.constant 0 : i32
      %dma_start3A_258 = tpu.memref_slice %arg4[%dma_start3A_256, %dma_start3A_257] : memref<632x128xf32, #tpu.memory_space<hbm>> -> memref<80x128xf32, #tpu.memory_space<hbm>>
      tpu.enqueue_dma source(%dma_start3A_258 : memref<80x128xf32, #tpu.memory_space<hbm>>) target(%arg10 : memref<80x128xf32, #tpu.memory_space<vmem>>) target_semaphore(%run_scoped3A_252 : memref<!tpu.dma_semaphore, #tpu.memory_space<semaphore_mem>>)
      %dma_wait3A_259 = arith.constant 0 : i32
      %dma_wait3A_260 = arith.constant 0 : i32
      %dma_wait3A_261 = tpu.memref_slice %arg4[%dma_wait3A_259, %dma_wait3A_260] : memref<632x128xf32, #tpu.memory_space<hbm>> -> memref<80x128xf32, #tpu.memory_space<hbm>>
      %dma_wait3A_262 = arith.constant 0 : i32
      %dma_wait3A_263 = arith.constant 0 : i32
      %dma_wait3A_264 = tpu.memref_slice %arg4[%dma_wait3A_262, %dma_wait3A_263] : memref<632x128xf32, #tpu.memory_space<hbm>> -> memref<80x128xf32, #tpu.memory_space<hbm>>
      tpu.wait_dma2 semaphore(%run_scoped3A_252 : memref<!tpu.dma_semaphore, #tpu.memory_space<semaphore_mem>>) src(%dma_wait3A_264 : memref<80x128xf32, #tpu.memory_space<hbm>>) dst(%arg10 : memref<80x128xf32, #tpu.memory_space<vmem>>)
      tpu.yield
    }) : () -> ()
    %mul3A = arith.constant 632 : i32
    %mul3A_0 = arith.muli %arg1, %mul3A : i32
    "tpu.region"() ({
      %run_scoped3A_252 = tpu.sem_alloc : memref<!tpu.dma_semaphore, #tpu.memory_space<semaphore_mem>>
      %dma_start3A_253 = arith.constant 0 : i32
      %dma_start3A_254 = tpu.memref_slice %arg12[%mul3A_0, %dma_start3A_253] : memref<10112x128xf32, #tpu.memory_space<vmem_shared>> -> memref<632x128xf32, #tpu.memory_space<vmem_shared>>
      %dma_start3A_255 = arith.constant 0 : i32
      %dma_start3A_256 = arith.constant 0 : i32
      %dma_start3A_257 = tpu.memref_slice %arg4[%dma_start3A_255, %dma_start3A_256] : memref<632x128xf32, #tpu.memory_space<hbm>> -> memref<632x128xf32, #tpu.memory_space<hbm>>
      tpu.enqueue_dma source(%dma_start3A_257 : memref<632x128xf32, #tpu.memory_space<hbm>>) target(%dma_start3A_254 : memref<632x128xf32, #tpu.memory_space<vmem_shared>>) target_semaphore(%run_scoped3A_252 : memref<!tpu.dma_semaphore, #tpu.memory_space<semaphore_mem>>)
      %dma_wait3A_258 = arith.constant 0 : i32
      %dma_wait3A_259 = tpu.memref_slice %arg12[%mul3A_0, %dma_wait3A_258] : memref<10112x128xf32, #tpu.memory_space<vmem_shared>> -> memref<632x128xf32, #tpu.memory_space<vmem_shared>>
      %dma_wait3A_260 = arith.constant 0 : i32
      %dma_wait3A_261 = arith.constant 0 : i32
      %dma_wait3A_262 = tpu.memref_slice %arg4[%dma_wait3A_260, %dma_wait3A_261] : memref<632x128xf32, #tpu.memory_space<hbm>> -> memref<632x128xf32, #tpu.memory_space<hbm>>
      tpu.wait_dma2 semaphore(%run_scoped3A_252 : memref<!tpu.dma_semaphore, #tpu.memory_space<semaphore_mem>>) src(%dma_wait3A_262 : memref<632x128xf32, #tpu.memory_space<hbm>>) dst(%dma_wait3A_259 : memref<632x128xf32, #tpu.memory_space<vmem_shared>>)
      tpu.yield
    }) : () -> ()
    %lt3A = arith.constant 10 : i32
    %lt3A_1 = arith.cmpi slt, %arg1, %lt3A : i32
    %convert_element_type3A = arith.extui %lt3A_1 : i1 to i32
    %cond3A = arith.constant 0 : i32
    %cond3A_2 = arith.cmpi ne, %convert_element_type3A, %cond3A : i32
    scf.if %cond3A_2 {
      %mul3A_252 = arith.constant 8 : i32
      %mul3A_253 = arith.muli %arg1, %mul3A_252 : i32
      "tpu.region"() ({
        %run_scoped3A_254 = tpu.sem_alloc : memref<!tpu.dma_semaphore, #tpu.memory_space<semaphore_mem>>
        %dma_start3A_255 = arith.constant 0 : i32
        %dma_start3A_256 = tpu.memref_slice %arg13[%mul3A_253, %dma_start3A_255] : memref<80x128xf32, #tpu.memory_space<vmem_shared>> -> memref<8x128xf32, #tpu.memory_space<vmem_shared>>
        %dma_start3A_257 = arith.constant 0 : i32
        %dma_start3A_258 = arith.constant 0 : i32
        %dma_start3A_259 = tpu.memref_slice %arg4[%dma_start3A_257, %dma_start3A_258] : memref<632x128xf32, #tpu.memory_space<hbm>> -> memref<8x128xf32, #tpu.memory_space<hbm>>
        tpu.enqueue_dma source(%dma_start3A_259 : memref<8x128xf32, #tpu.memory_space<hbm>>) target(%dma_start3A_256 : memref<8x128xf32, #tpu.memory_space<vmem_shared>>) target_semaphore(%run_scoped3A_254 : memref<!tpu.dma_semaphore, #tpu.memory_space<semaphore_mem>>)
        %dma_wait3A_260 = arith.constant 0 : i32
        %dma_wait3A_261 = tpu.memref_slice %arg13[%mul3A_253, %dma_wait3A_260] : memref<80x128xf32, #tpu.memory_space<vmem_shared>> -> memref<8x128xf32, #tpu.memory_space<vmem_shared>>
        %dma_wait3A_262 = arith.constant 0 : i32
        %dma_wait3A_263 = arith.constant 0 : i32
        %dma_wait3A_264 = tpu.memref_slice %arg4[%dma_wait3A_262, %dma_wait3A_263] : memref<632x128xf32, #tpu.memory_space<hbm>> -> memref<8x128xf32, #tpu.memory_space<hbm>>
        tpu.wait_dma2 semaphore(%run_scoped3A_254 : memref<!tpu.dma_semaphore, #tpu.memory_space<semaphore_mem>>) src(%dma_wait3A_264 : memref<8x128xf32, #tpu.memory_space<hbm>>) dst(%dma_wait3A_261 : memref<8x128xf32, #tpu.memory_space<vmem_shared>>)
        tpu.yield
      }) : () -> ()
    } else {
    }
    %barrier3A = arith.constant 0 : index
    tpu.barrier barrier_id(%barrier3A)
    %dma_start3A = arith.constant 0 : i32
    %dma_start3A_3 = arith.constant 0 : i32
    %dma_start3A_4 = arith.constant 0 : i32
    %dma_start3A_5 = arith.constant 0 : i32
    %dma_start3A_6 = tpu.memref_slice %arg8[%dma_start3A_3, %dma_start3A_4, %dma_start3A_5] : memref<7x2x48xi32, #tpu.memory_space<vmem>> -> memref<1x2x48xi32, #tpu.memory_space<vmem>>
    %dma_start3A_7 = tpu.memref_squeeze %dma_start3A_6 : memref<1x2x48xi32, #tpu.memory_space<vmem>> -> memref<2x48xi32, #tpu.memory_space<vmem>>
    %dma_start3A_8 = arith.constant 0 : i32
    %dma_start3A_9 = arith.constant 0 : i32
    %dma_start3A_10 = tpu.memref_slice %arg3[%arg0, %arg1, %dma_start3A, %dma_start3A_8, %dma_start3A_9] : memref<2x16x209x2x48xi32, #tpu.memory_space<hbm>> -> memref<1x1x1x2x48xi32, #tpu.memory_space<hbm>>
    %dma_start3A_11 = tpu.memref_squeeze %dma_start3A_10 : memref<1x1x1x2x48xi32, #tpu.memory_space<hbm>> -> memref<2x48xi32, #tpu.memory_space<hbm>>
    %dma_start3A_12 = arith.constant 0 : i32
    %dma_start3A_13 = arith.constant 0 : i32
    %dma_start3A_14 = tpu.memref_slice %arg8[%dma_start3A_3, %dma_start3A_12, %dma_start3A_13] : memref<7x2x48xi32, #tpu.memory_space<vmem>> -> memref<1x2x48xi32, #tpu.memory_space<vmem>>
    %dma_start3A_15 = tpu.memref_squeeze %dma_start3A_14 : memref<1x2x48xi32, #tpu.memory_space<vmem>> -> memref<2x48xi32, #tpu.memory_space<vmem>>
    %dma_start3A_16 = arith.constant 0 : i32
    %dma_start3A_17 = arith.constant 0 : i32
    %dma_start3A_18 = tpu.memref_slice %arg3[%arg0, %arg1, %dma_start3A, %dma_start3A_16, %dma_start3A_17] : memref<2x16x209x2x48xi32, #tpu.memory_space<hbm>> -> memref<1x1x1x2x48xi32, #tpu.memory_space<hbm>>
    %dma_start3A_19 = tpu.memref_squeeze %dma_start3A_18 : memref<1x1x1x2x48xi32, #tpu.memory_space<hbm>> -> memref<2x48xi32, #tpu.memory_space<hbm>>
    tpu.enqueue_dma source(%dma_start3A_19 : memref<2x48xi32, #tpu.memory_space<hbm>>) target(%dma_start3A_15 : memref<2x48xi32, #tpu.memory_space<vmem>>) target_semaphore(%arg14 : memref<!tpu.dma_semaphore, #tpu.memory_space<semaphore_mem>>)
    %dma_start3A_20 = arith.constant 1 : i32
    %dma_start3A_21 = arith.constant 1 : i32
    %dma_start3A_22 = arith.constant 0 : i32
    %dma_start3A_23 = arith.constant 0 : i32
    %dma_start3A_24 = tpu.memref_slice %arg8[%dma_start3A_21, %dma_start3A_22, %dma_start3A_23] : memref<7x2x48xi32, #tpu.memory_space<vmem>> -> memref<1x2x48xi32, #tpu.memory_space<vmem>>
    %dma_start3A_25 = tpu.memref_squeeze %dma_start3A_24 : memref<1x2x48xi32, #tpu.memory_space<vmem>> -> memref<2x48xi32, #tpu.memory_space<vmem>>
    %dma_start3A_26 = arith.constant 0 : i32
    %dma_start3A_27 = arith.constant 0 : i32
    %dma_start3A_28 = tpu.memref_slice %arg3[%arg0, %arg1, %dma_start3A_20, %dma_start3A_26, %dma_start3A_27] : memref<2x16x209x2x48xi32, #tpu.memory_space<hbm>> -> memref<1x1x1x2x48xi32, #tpu.memory_space<hbm>>
    %dma_start3A_29 = tpu.memref_squeeze %dma_start3A_28 : memref<1x1x1x2x48xi32, #tpu.memory_space<hbm>> -> memref<2x48xi32, #tpu.memory_space<hbm>>
    %dma_start3A_30 = arith.constant 0 : i32
    %dma_start3A_31 = arith.constant 0 : i32
    %dma_start3A_32 = tpu.memref_slice %arg8[%dma_start3A_21, %dma_start3A_30, %dma_start3A_31] : memref<7x2x48xi32, #tpu.memory_space<vmem>> -> memref<1x2x48xi32, #tpu.memory_space<vmem>>
    %dma_start3A_33 = tpu.memref_squeeze %dma_start3A_32 : memref<1x2x48xi32, #tpu.memory_space<vmem>> -> memref<2x48xi32, #tpu.memory_space<vmem>>
    %dma_start3A_34 = arith.constant 0 : i32
    %dma_start3A_35 = arith.constant 0 : i32
    %dma_start3A_36 = tpu.memref_slice %arg3[%arg0, %arg1, %dma_start3A_20, %dma_start3A_34, %dma_start3A_35] : memref<2x16x209x2x48xi32, #tpu.memory_space<hbm>> -> memref<1x1x1x2x48xi32, #tpu.memory_space<hbm>>
    %dma_start3A_37 = tpu.memref_squeeze %dma_start3A_36 : memref<1x1x1x2x48xi32, #tpu.memory_space<hbm>> -> memref<2x48xi32, #tpu.memory_space<hbm>>
    tpu.enqueue_dma source(%dma_start3A_37 : memref<2x48xi32, #tpu.memory_space<hbm>>) target(%dma_start3A_33 : memref<2x48xi32, #tpu.memory_space<vmem>>) target_semaphore(%arg14 : memref<!tpu.dma_semaphore, #tpu.memory_space<semaphore_mem>>)
    %dma_start3A_38 = arith.constant 2 : i32
    %dma_start3A_39 = arith.constant 2 : i32
    %dma_start3A_40 = arith.constant 0 : i32
    %dma_start3A_41 = arith.constant 0 : i32
    %dma_start3A_42 = tpu.memref_slice %arg8[%dma_start3A_39, %dma_start3A_40, %dma_start3A_41] : memref<7x2x48xi32, #tpu.memory_space<vmem>> -> memref<1x2x48xi32, #tpu.memory_space<vmem>>
    %dma_start3A_43 = tpu.memref_squeeze %dma_start3A_42 : memref<1x2x48xi32, #tpu.memory_space<vmem>> -> memref<2x48xi32, #tpu.memory_space<vmem>>
    %dma_start3A_44 = arith.constant 0 : i32
    %dma_start3A_45 = arith.constant 0 : i32
    %dma_start3A_46 = tpu.memref_slice %arg3[%arg0, %arg1, %dma_start3A_38, %dma_start3A_44, %dma_start3A_45] : memref<2x16x209x2x48xi32, #tpu.memory_space<hbm>> -> memref<1x1x1x2x48xi32, #tpu.memory_space<hbm>>
    %dma_start3A_47 = tpu.memref_squeeze %dma_start3A_46 : memref<1x1x1x2x48xi32, #tpu.memory_space<hbm>> -> memref<2x48xi32, #tpu.memory_space<hbm>>
    %dma_start3A_48 = arith.constant 0 : i32
    %dma_start3A_49 = arith.constant 0 : i32
    %dma_start3A_50 = tpu.memref_slice %arg8[%dma_start3A_39, %dma_start3A_48, %dma_start3A_49] : memref<7x2x48xi32, #tpu.memory_space<vmem>> -> memref<1x2x48xi32, #tpu.memory_space<vmem>>
    %dma_start3A_51 = tpu.memref_squeeze %dma_start3A_50 : memref<1x2x48xi32, #tpu.memory_space<vmem>> -> memref<2x48xi32, #tpu.memory_space<vmem>>
    %dma_start3A_52 = arith.constant 0 : i32
    %dma_start3A_53 = arith.constant 0 : i32
    %dma_start3A_54 = tpu.memref_slice %arg3[%arg0, %arg1, %dma_start3A_38, %dma_start3A_52, %dma_start3A_53] : memref<2x16x209x2x48xi32, #tpu.memory_space<hbm>> -> memref<1x1x1x2x48xi32, #tpu.memory_space<hbm>>
    %dma_start3A_55 = tpu.memref_squeeze %dma_start3A_54 : memref<1x1x1x2x48xi32, #tpu.memory_space<hbm>> -> memref<2x48xi32, #tpu.memory_space<hbm>>
    tpu.enqueue_dma source(%dma_start3A_55 : memref<2x48xi32, #tpu.memory_space<hbm>>) target(%dma_start3A_51 : memref<2x48xi32, #tpu.memory_space<vmem>>) target_semaphore(%arg14 : memref<!tpu.dma_semaphore, #tpu.memory_space<semaphore_mem>>)
    %dma_start3A_56 = arith.constant 3 : i32
    %dma_start3A_57 = arith.constant 3 : i32
    %dma_start3A_58 = arith.constant 0 : i32
    %dma_start3A_59 = arith.constant 0 : i32
    %dma_start3A_60 = tpu.memref_slice %arg8[%dma_start3A_57, %dma_start3A_58, %dma_start3A_59] : memref<7x2x48xi32, #tpu.memory_space<vmem>> -> memref<1x2x48xi32, #tpu.memory_space<vmem>>
    %dma_start3A_61 = tpu.memref_squeeze %dma_start3A_60 : memref<1x2x48xi32, #tpu.memory_space<vmem>> -> memref<2x48xi32, #tpu.memory_space<vmem>>
    %dma_start3A_62 = arith.constant 0 : i32
    %dma_start3A_63 = arith.constant 0 : i32
    %dma_start3A_64 = tpu.memref_slice %arg3[%arg0, %arg1, %dma_start3A_56, %dma_start3A_62, %dma_start3A_63] : memref<2x16x209x2x48xi32, #tpu.memory_space<hbm>> -> memref<1x1x1x2x48xi32, #tpu.memory_space<hbm>>
    %dma_start3A_65 = tpu.memref_squeeze %dma_start3A_64 : memref<1x1x1x2x48xi32, #tpu.memory_space<hbm>> -> memref<2x48xi32, #tpu.memory_space<hbm>>
    %dma_start3A_66 = arith.constant 0 : i32
    %dma_start3A_67 = arith.constant 0 : i32
    %dma_start3A_68 = tpu.memref_slice %arg8[%dma_start3A_57, %dma_start3A_66, %dma_start3A_67] : memref<7x2x48xi32, #tpu.memory_space<vmem>> -> memref<1x2x48xi32, #tpu.memory_space<vmem>>
    %dma_start3A_69 = tpu.memref_squeeze %dma_start3A_68 : memref<1x2x48xi32, #tpu.memory_space<vmem>> -> memref<2x48xi32, #tpu.memory_space<vmem>>
    %dma_start3A_70 = arith.constant 0 : i32
    %dma_start3A_71 = arith.constant 0 : i32
    %dma_start3A_72 = tpu.memref_slice %arg3[%arg0, %arg1, %dma_start3A_56, %dma_start3A_70, %dma_start3A_71] : memref<2x16x209x2x48xi32, #tpu.memory_space<hbm>> -> memref<1x1x1x2x48xi32, #tpu.memory_space<hbm>>
    %dma_start3A_73 = tpu.memref_squeeze %dma_start3A_72 : memref<1x1x1x2x48xi32, #tpu.memory_space<hbm>> -> memref<2x48xi32, #tpu.memory_space<hbm>>
    tpu.enqueue_dma source(%dma_start3A_73 : memref<2x48xi32, #tpu.memory_space<hbm>>) target(%dma_start3A_69 : memref<2x48xi32, #tpu.memory_space<vmem>>) target_semaphore(%arg14 : memref<!tpu.dma_semaphore, #tpu.memory_space<semaphore_mem>>)
    %dma_start3A_74 = arith.constant 4 : i32
    %dma_start3A_75 = arith.constant 4 : i32
    %dma_start3A_76 = arith.constant 0 : i32
    %dma_start3A_77 = arith.constant 0 : i32
    %dma_start3A_78 = tpu.memref_slice %arg8[%dma_start3A_75, %dma_start3A_76, %dma_start3A_77] : memref<7x2x48xi32, #tpu.memory_space<vmem>> -> memref<1x2x48xi32, #tpu.memory_space<vmem>>
    %dma_start3A_79 = tpu.memref_squeeze %dma_start3A_78 : memref<1x2x48xi32, #tpu.memory_space<vmem>> -> memref<2x48xi32, #tpu.memory_space<vmem>>
    %dma_start3A_80 = arith.constant 0 : i32
    %dma_start3A_81 = arith.constant 0 : i32
    %dma_start3A_82 = tpu.memref_slice %arg3[%arg0, %arg1, %dma_start3A_74, %dma_start3A_80, %dma_start3A_81] : memref<2x16x209x2x48xi32, #tpu.memory_space<hbm>> -> memref<1x1x1x2x48xi32, #tpu.memory_space<hbm>>
    %dma_start3A_83 = tpu.memref_squeeze %dma_start3A_82 : memref<1x1x1x2x48xi32, #tpu.memory_space<hbm>> -> memref<2x48xi32, #tpu.memory_space<hbm>>
    %dma_start3A_84 = arith.constant 0 : i32
    %dma_start3A_85 = arith.constant 0 : i32
    %dma_start3A_86 = tpu.memref_slice %arg8[%dma_start3A_75, %dma_start3A_84, %dma_start3A_85] : memref<7x2x48xi32, #tpu.memory_space<vmem>> -> memref<1x2x48xi32, #tpu.memory_space<vmem>>
    %dma_start3A_87 = tpu.memref_squeeze %dma_start3A_86 : memref<1x2x48xi32, #tpu.memory_space<vmem>> -> memref<2x48xi32, #tpu.memory_space<vmem>>
    %dma_start3A_88 = arith.constant 0 : i32
    %dma_start3A_89 = arith.constant 0 : i32
    %dma_start3A_90 = tpu.memref_slice %arg3[%arg0, %arg1, %dma_start3A_74, %dma_start3A_88, %dma_start3A_89] : memref<2x16x209x2x48xi32, #tpu.memory_space<hbm>> -> memref<1x1x1x2x48xi32, #tpu.memory_space<hbm>>
    %dma_start3A_91 = tpu.memref_squeeze %dma_start3A_90 : memref<1x1x1x2x48xi32, #tpu.memory_space<hbm>> -> memref<2x48xi32, #tpu.memory_space<hbm>>
    tpu.enqueue_dma source(%dma_start3A_91 : memref<2x48xi32, #tpu.memory_space<hbm>>) target(%dma_start3A_87 : memref<2x48xi32, #tpu.memory_space<vmem>>) target_semaphore(%arg14 : memref<!tpu.dma_semaphore, #tpu.memory_space<semaphore_mem>>)
    %dma_wait3A = arith.constant 0 : i32
    %dma_wait3A_92 = arith.constant 0 : i32
    %dma_wait3A_93 = arith.constant 0 : i32
    %dma_wait3A_94 = arith.constant 0 : i32
    %dma_wait3A_95 = tpu.memref_slice %arg8[%dma_wait3A_92, %dma_wait3A_93, %dma_wait3A_94] : memref<7x2x48xi32, #tpu.memory_space<vmem>> -> memref<1x2x48xi32, #tpu.memory_space<vmem>>
    %dma_wait3A_96 = tpu.memref_squeeze %dma_wait3A_95 : memref<1x2x48xi32, #tpu.memory_space<vmem>> -> memref<2x48xi32, #tpu.memory_space<vmem>>
    %dma_wait3A_97 = arith.constant 0 : i32
    %dma_wait3A_98 = arith.constant 0 : i32
    %dma_wait3A_99 = tpu.memref_slice %arg3[%arg0, %arg1, %dma_wait3A, %dma_wait3A_97, %dma_wait3A_98] : memref<2x16x209x2x48xi32, #tpu.memory_space<hbm>> -> memref<1x1x1x2x48xi32, #tpu.memory_space<hbm>>
    %dma_wait3A_100 = tpu.memref_squeeze %dma_wait3A_99 : memref<1x1x1x2x48xi32, #tpu.memory_space<hbm>> -> memref<2x48xi32, #tpu.memory_space<hbm>>
    %dma_wait3A_101 = arith.constant 0 : i32
    %dma_wait3A_102 = arith.constant 0 : i32
    %dma_wait3A_103 = tpu.memref_slice %arg8[%dma_wait3A_92, %dma_wait3A_101, %dma_wait3A_102] : memref<7x2x48xi32, #tpu.memory_space<vmem>> -> memref<1x2x48xi32, #tpu.memory_space<vmem>>
    %dma_wait3A_104 = tpu.memref_squeeze %dma_wait3A_103 : memref<1x2x48xi32, #tpu.memory_space<vmem>> -> memref<2x48xi32, #tpu.memory_space<vmem>>
    %dma_wait3A_105 = arith.constant 0 : i32
    %dma_wait3A_106 = arith.constant 0 : i32
    %dma_wait3A_107 = tpu.memref_slice %arg3[%arg0, %arg1, %dma_wait3A, %dma_wait3A_105, %dma_wait3A_106] : memref<2x16x209x2x48xi32, #tpu.memory_space<hbm>> -> memref<1x1x1x2x48xi32, #tpu.memory_space<hbm>>
    %dma_wait3A_108 = tpu.memref_squeeze %dma_wait3A_107 : memref<1x1x1x2x48xi32, #tpu.memory_space<hbm>> -> memref<2x48xi32, #tpu.memory_space<hbm>>
    tpu.wait_dma2 semaphore(%arg14 : memref<!tpu.dma_semaphore, #tpu.memory_space<semaphore_mem>>) src(%dma_wait3A_108 : memref<2x48xi32, #tpu.memory_space<hbm>>) dst(%dma_wait3A_104 : memref<2x48xi32, #tpu.memory_space<vmem>>)
    %dma_start3A_109 = arith.constant 0 : i32
    %dma_start3A_110 = arith.constant 0 : i32
    %dma_start3A_111 = arith.constant 0 : i32
    %dma_start3A_112 = arith.constant 0 : i32
    %dma_start3A_113 = arith.constant 0 : i32
    %dma_start3A_114 = tpu.memref_slice %arg9[%dma_start3A_111, %dma_start3A_112, %dma_start3A_113] : memref<6x48x128xf32, #tpu.memory_space<vmem>> -> memref<1x48x128xf32, #tpu.memory_space<vmem>>
    %dma_start3A_115 = tpu.memref_squeeze %dma_start3A_114 : memref<1x48x128xf32, #tpu.memory_space<vmem>> -> memref<48x128xf32, #tpu.memory_space<vmem>>
    %dma_start3A_116 = arith.constant 0 : i32
    %dma_start3A_117 = tpu.memref_slice %arg8[%dma_start3A_109, %dma_start3A_110, %dma_start3A_116] : memref<7x2x48xi32, #tpu.memory_space<vmem>> -> memref<1x1x48xi32, #tpu.memory_space<vmem>>
    %dma_start3A_118 = tpu.memref_squeeze %dma_start3A_117 : memref<1x1x48xi32, #tpu.memory_space<vmem>> -> memref<48xi32, #tpu.memory_space<vmem>>
    %dma_start3A_119 = arith.constant 0 : i32
    %dma_start3A_120 = arith.constant 0 : i32
    %dma_start3A_121 = tpu.memref_slice %arg2[%dma_start3A_119, %dma_start3A_120] : memref<10112x128xf32, #tpu.memory_space<hbm>> -> memref<10112x128xf32, #tpu.memory_space<hbm>>
    tpu.enqueue_indirect_dma source(%dma_start3A_121 : memref<10112x128xf32, #tpu.memory_space<hbm>>) target(%dma_start3A_115 : memref<48x128xf32, #tpu.memory_space<vmem>>) offsets(%dma_start3A_118 : memref<48xi32, #tpu.memory_space<vmem>>) semaphore(%arg15 : memref<!tpu.dma_semaphore, #tpu.memory_space<semaphore_mem>>)
    %dma_wait3A_122 = arith.constant 1 : i32
    %dma_wait3A_123 = arith.constant 1 : i32
    %dma_wait3A_124 = arith.constant 0 : i32
    %dma_wait3A_125 = arith.constant 0 : i32
    %dma_wait3A_126 = tpu.memref_slice %arg8[%dma_wait3A_123, %dma_wait3A_124, %dma_wait3A_125] : memref<7x2x48xi32, #tpu.memory_space<vmem>> -> memref<1x2x48xi32, #tpu.memory_space<vmem>>
    %dma_wait3A_127 = tpu.memref_squeeze %dma_wait3A_126 : memref<1x2x48xi32, #tpu.memory_space<vmem>> -> memref<2x48xi32, #tpu.memory_space<vmem>>
    %dma_wait3A_128 = arith.constant 0 : i32
    %dma_wait3A_129 = arith.constant 0 : i32
    %dma_wait3A_130 = tpu.memref_slice %arg3[%arg0, %arg1, %dma_wait3A_122, %dma_wait3A_128, %dma_wait3A_129] : memref<2x16x209x2x48xi32, #tpu.memory_space<hbm>> -> memref<1x1x1x2x48xi32, #tpu.memory_space<hbm>>
    %dma_wait3A_131 = tpu.memref_squeeze %dma_wait3A_130 : memref<1x1x1x2x48xi32, #tpu.memory_space<hbm>> -> memref<2x48xi32, #tpu.memory_space<hbm>>
    %dma_wait3A_132 = arith.constant 0 : i32
    %dma_wait3A_133 = arith.constant 0 : i32
    %dma_wait3A_134 = tpu.memref_slice %arg8[%dma_wait3A_123, %dma_wait3A_132, %dma_wait3A_133] : memref<7x2x48xi32, #tpu.memory_space<vmem>> -> memref<1x2x48xi32, #tpu.memory_space<vmem>>
    %dma_wait3A_135 = tpu.memref_squeeze %dma_wait3A_134 : memref<1x2x48xi32, #tpu.memory_space<vmem>> -> memref<2x48xi32, #tpu.memory_space<vmem>>
    %dma_wait3A_136 = arith.constant 0 : i32
    %dma_wait3A_137 = arith.constant 0 : i32
    %dma_wait3A_138 = tpu.memref_slice %arg3[%arg0, %arg1, %dma_wait3A_122, %dma_wait3A_136, %dma_wait3A_137] : memref<2x16x209x2x48xi32, #tpu.memory_space<hbm>> -> memref<1x1x1x2x48xi32, #tpu.memory_space<hbm>>
    %dma_wait3A_139 = tpu.memref_squeeze %dma_wait3A_138 : memref<1x1x1x2x48xi32, #tpu.memory_space<hbm>> -> memref<2x48xi32, #tpu.memory_space<hbm>>
    tpu.wait_dma2 semaphore(%arg14 : memref<!tpu.dma_semaphore, #tpu.memory_space<semaphore_mem>>) src(%dma_wait3A_139 : memref<2x48xi32, #tpu.memory_space<hbm>>) dst(%dma_wait3A_135 : memref<2x48xi32, #tpu.memory_space<vmem>>)
    %dma_start3A_140 = arith.constant 1 : i32
    %dma_start3A_141 = arith.constant 0 : i32
    %dma_start3A_142 = arith.constant 1 : i32
    %dma_start3A_143 = arith.constant 0 : i32
    %dma_start3A_144 = arith.constant 0 : i32
    %dma_start3A_145 = tpu.memref_slice %arg9[%dma_start3A_142, %dma_start3A_143, %dma_start3A_144] : memref<6x48x128xf32, #tpu.memory_space<vmem>> -> memref<1x48x128xf32, #tpu.memory_space<vmem>>
    %dma_start3A_146 = tpu.memref_squeeze %dma_start3A_145 : memref<1x48x128xf32, #tpu.memory_space<vmem>> -> memref<48x128xf32, #tpu.memory_space<vmem>>
    %dma_start3A_147 = arith.constant 0 : i32
    %dma_start3A_148 = tpu.memref_slice %arg8[%dma_start3A_140, %dma_start3A_141, %dma_start3A_147] : memref<7x2x48xi32, #tpu.memory_space<vmem>> -> memref<1x1x48xi32, #tpu.memory_space<vmem>>
    %dma_start3A_149 = tpu.memref_squeeze %dma_start3A_148 : memref<1x1x48xi32, #tpu.memory_space<vmem>> -> memref<48xi32, #tpu.memory_space<vmem>>
    %dma_start3A_150 = arith.constant 0 : i32
    %dma_start3A_151 = arith.constant 0 : i32
    %dma_start3A_152 = tpu.memref_slice %arg2[%dma_start3A_150, %dma_start3A_151] : memref<10112x128xf32, #tpu.memory_space<hbm>> -> memref<10112x128xf32, #tpu.memory_space<hbm>>
    tpu.enqueue_indirect_dma source(%dma_start3A_152 : memref<10112x128xf32, #tpu.memory_space<hbm>>) target(%dma_start3A_146 : memref<48x128xf32, #tpu.memory_space<vmem>>) offsets(%dma_start3A_149 : memref<48xi32, #tpu.memory_space<vmem>>) semaphore(%arg15 : memref<!tpu.dma_semaphore, #tpu.memory_space<semaphore_mem>>)
    %dma_wait3A_153 = arith.constant 2 : i32
    %dma_wait3A_154 = arith.constant 2 : i32
    %dma_wait3A_155 = arith.constant 0 : i32
    %dma_wait3A_156 = arith.constant 0 : i32
    %dma_wait3A_157 = tpu.memref_slice %arg8[%dma_wait3A_154, %dma_wait3A_155, %dma_wait3A_156] : memref<7x2x48xi32, #tpu.memory_space<vmem>> -> memref<1x2x48xi32, #tpu.memory_space<vmem>>
    %dma_wait3A_158 = tpu.memref_squeeze %dma_wait3A_157 : memref<1x2x48xi32, #tpu.memory_space<vmem>> -> memref<2x48xi32, #tpu.memory_space<vmem>>
    %dma_wait3A_159 = arith.constant 0 : i32
    %dma_wait3A_160 = arith.constant 0 : i32
    %dma_wait3A_161 = tpu.memref_slice %arg3[%arg0, %arg1, %dma_wait3A_153, %dma_wait3A_159, %dma_wait3A_160] : memref<2x16x209x2x48xi32, #tpu.memory_space<hbm>> -> memref<1x1x1x2x48xi32, #tpu.memory_space<hbm>>
    %dma_wait3A_162 = tpu.memref_squeeze %dma_wait3A_161 : memref<1x1x1x2x48xi32, #tpu.memory_space<hbm>> -> memref<2x48xi32, #tpu.memory_space<hbm>>
    %dma_wait3A_163 = arith.constant 0 : i32
    %dma_wait3A_164 = arith.constant 0 : i32
    %dma_wait3A_165 = tpu.memref_slice %arg8[%dma_wait3A_154, %dma_wait3A_163, %dma_wait3A_164] : memref<7x2x48xi32, #tpu.memory_space<vmem>> -> memref<1x2x48xi32, #tpu.memory_space<vmem>>
    %dma_wait3A_166 = tpu.memref_squeeze %dma_wait3A_165 : memref<1x2x48xi32, #tpu.memory_space<vmem>> -> memref<2x48xi32, #tpu.memory_space<vmem>>
    %dma_wait3A_167 = arith.constant 0 : i32
    %dma_wait3A_168 = arith.constant 0 : i32
    %dma_wait3A_169 = tpu.memref_slice %arg3[%arg0, %arg1, %dma_wait3A_153, %dma_wait3A_167, %dma_wait3A_168] : memref<2x16x209x2x48xi32, #tpu.memory_space<hbm>> -> memref<1x1x1x2x48xi32, #tpu.memory_space<hbm>>
    %dma_wait3A_170 = tpu.memref_squeeze %dma_wait3A_169 : memref<1x1x1x2x48xi32, #tpu.memory_space<hbm>> -> memref<2x48xi32, #tpu.memory_space<hbm>>
    tpu.wait_dma2 semaphore(%arg14 : memref<!tpu.dma_semaphore, #tpu.memory_space<semaphore_mem>>) src(%dma_wait3A_170 : memref<2x48xi32, #tpu.memory_space<hbm>>) dst(%dma_wait3A_166 : memref<2x48xi32, #tpu.memory_space<vmem>>)
    %dma_start3A_171 = arith.constant 2 : i32
    %dma_start3A_172 = arith.constant 0 : i32
    %dma_start3A_173 = arith.constant 2 : i32
    %dma_start3A_174 = arith.constant 0 : i32
    %dma_start3A_175 = arith.constant 0 : i32
    %dma_start3A_176 = tpu.memref_slice %arg9[%dma_start3A_173, %dma_start3A_174, %dma_start3A_175] : memref<6x48x128xf32, #tpu.memory_space<vmem>> -> memref<1x48x128xf32, #tpu.memory_space<vmem>>
    %dma_start3A_177 = tpu.memref_squeeze %dma_start3A_176 : memref<1x48x128xf32, #tpu.memory_space<vmem>> -> memref<48x128xf32, #tpu.memory_space<vmem>>
    %dma_start3A_178 = arith.constant 0 : i32
    %dma_start3A_179 = tpu.memref_slice %arg8[%dma_start3A_171, %dma_start3A_172, %dma_start3A_178] : memref<7x2x48xi32, #tpu.memory_space<vmem>> -> memref<1x1x48xi32, #tpu.memory_space<vmem>>
    %dma_start3A_180 = tpu.memref_squeeze %dma_start3A_179 : memref<1x1x48xi32, #tpu.memory_space<vmem>> -> memref<48xi32, #tpu.memory_space<vmem>>
    %dma_start3A_181 = arith.constant 0 : i32
    %dma_start3A_182 = arith.constant 0 : i32
    %dma_start3A_183 = tpu.memref_slice %arg2[%dma_start3A_181, %dma_start3A_182] : memref<10112x128xf32, #tpu.memory_space<hbm>> -> memref<10112x128xf32, #tpu.memory_space<hbm>>
    tpu.enqueue_indirect_dma source(%dma_start3A_183 : memref<10112x128xf32, #tpu.memory_space<hbm>>) target(%dma_start3A_177 : memref<48x128xf32, #tpu.memory_space<vmem>>) offsets(%dma_start3A_180 : memref<48xi32, #tpu.memory_space<vmem>>) semaphore(%arg15 : memref<!tpu.dma_semaphore, #tpu.memory_space<semaphore_mem>>)
    %dma_wait3A_184 = arith.constant 3 : i32
    %dma_wait3A_185 = arith.constant 3 : i32
    %dma_wait3A_186 = arith.constant 0 : i32
    %dma_wait3A_187 = arith.constant 0 : i32
    %dma_wait3A_188 = tpu.memref_slice %arg8[%dma_wait3A_185, %dma_wait3A_186, %dma_wait3A_187] : memref<7x2x48xi32, #tpu.memory_space<vmem>> -> memref<1x2x48xi32, #tpu.memory_space<vmem>>
    %dma_wait3A_189 = tpu.memref_squeeze %dma_wait3A_188 : memref<1x2x48xi32, #tpu.memory_space<vmem>> -> memref<2x48xi32, #tpu.memory_space<vmem>>
    %dma_wait3A_190 = arith.constant 0 : i32
    %dma_wait3A_191 = arith.constant 0 : i32
    %dma_wait3A_192 = tpu.memref_slice %arg3[%arg0, %arg1, %dma_wait3A_184, %dma_wait3A_190, %dma_wait3A_191] : memref<2x16x209x2x48xi32, #tpu.memory_space<hbm>> -> memref<1x1x1x2x48xi32, #tpu.memory_space<hbm>>
    %dma_wait3A_193 = tpu.memref_squeeze %dma_wait3A_192 : memref<1x1x1x2x48xi32, #tpu.memory_space<hbm>> -> memref<2x48xi32, #tpu.memory_space<hbm>>
    %dma_wait3A_194 = arith.constant 0 : i32
    %dma_wait3A_195 = arith.constant 0 : i32
    %dma_wait3A_196 = tpu.memref_slice %arg8[%dma_wait3A_185, %dma_wait3A_194, %dma_wait3A_195] : memref<7x2x48xi32, #tpu.memory_space<vmem>> -> memref<1x2x48xi32, #tpu.memory_space<vmem>>
    %dma_wait3A_197 = tpu.memref_squeeze %dma_wait3A_196 : memref<1x2x48xi32, #tpu.memory_space<vmem>> -> memref<2x48xi32, #tpu.memory_space<vmem>>
    %dma_wait3A_198 = arith.constant 0 : i32
    %dma_wait3A_199 = arith.constant 0 : i32
    %dma_wait3A_200 = tpu.memref_slice %arg3[%arg0, %arg1, %dma_wait3A_184, %dma_wait3A_198, %dma_wait3A_199] : memref<2x16x209x2x48xi32, #tpu.memory_space<hbm>> -> memref<1x1x1x2x48xi32, #tpu.memory_space<hbm>>
    %dma_wait3A_201 = tpu.memref_squeeze %dma_wait3A_200 : memref<1x1x1x2x48xi32, #tpu.memory_space<hbm>> -> memref<2x48xi32, #tpu.memory_space<hbm>>
    tpu.wait_dma2 semaphore(%arg14 : memref<!tpu.dma_semaphore, #tpu.memory_space<semaphore_mem>>) src(%dma_wait3A_201 : memref<2x48xi32, #tpu.memory_space<hbm>>) dst(%dma_wait3A_197 : memref<2x48xi32, #tpu.memory_space<vmem>>)
    %dma_start3A_202 = arith.constant 3 : i32
    %dma_start3A_203 = arith.constant 0 : i32
    %dma_start3A_204 = arith.constant 3 : i32
    %dma_start3A_205 = arith.constant 0 : i32
    %dma_start3A_206 = arith.constant 0 : i32
    %dma_start3A_207 = tpu.memref_slice %arg9[%dma_start3A_204, %dma_start3A_205, %dma_start3A_206] : memref<6x48x128xf32, #tpu.memory_space<vmem>> -> memref<1x48x128xf32, #tpu.memory_space<vmem>>
    %dma_start3A_208 = tpu.memref_squeeze %dma_start3A_207 : memref<1x48x128xf32, #tpu.memory_space<vmem>> -> memref<48x128xf32, #tpu.memory_space<vmem>>
    %dma_start3A_209 = arith.constant 0 : i32
    %dma_start3A_210 = tpu.memref_slice %arg8[%dma_start3A_202, %dma_start3A_203, %dma_start3A_209] : memref<7x2x48xi32, #tpu.memory_space<vmem>> -> memref<1x1x48xi32, #tpu.memory_space<vmem>>
    %dma_start3A_211 = tpu.memref_squeeze %dma_start3A_210 : memref<1x1x48xi32, #tpu.memory_space<vmem>> -> memref<48xi32, #tpu.memory_space<vmem>>
    %dma_start3A_212 = arith.constant 0 : i32
    %dma_start3A_213 = arith.constant 0 : i32
    %dma_start3A_214 = tpu.memref_slice %arg2[%dma_start3A_212, %dma_start3A_213] : memref<10112x128xf32, #tpu.memory_space<hbm>> -> memref<10112x128xf32, #tpu.memory_space<hbm>>
    tpu.enqueue_indirect_dma source(%dma_start3A_214 : memref<10112x128xf32, #tpu.memory_space<hbm>>) target(%dma_start3A_208 : memref<48x128xf32, #tpu.memory_space<vmem>>) offsets(%dma_start3A_211 : memref<48xi32, #tpu.memory_space<vmem>>) semaphore(%arg15 : memref<!tpu.dma_semaphore, #tpu.memory_space<semaphore_mem>>)
    %scan3A = arith.constant 0 : i32
    %scan3A_215 = arith.constant 0 : i32
    %scan3A_216 = arith.constant 209 : i32
    %scan3A_217 = arith.addi %scan3A_215, %scan3A_216 : i32
    %scan3A_218 = arith.constant 1 : i32
    scf.for %scan3A_252 = %scan3A_215 to %scan3A_217 step %scan3A_218  : i32 {
      %rem3A = arith.constant 6 : i32
      %rem3A_253 = arith.remsi %scan3A_252, %rem3A : i32
      %rem3A_254 = arith.constant 7 : i32
      %rem3A_255 = arith.remsi %scan3A_252, %rem3A_254 : i32
      %dma_wait3A_256 = arith.constant 0 : i32
      %dma_wait3A_257 = arith.constant 0 : i32
      %dma_wait3A_258 = arith.constant 0 : i32
      %dma_wait3A_259 = tpu.memref_slice %arg9[%rem3A_253, %dma_wait3A_257, %dma_wait3A_258] : memref<6x48x128xf32, #tpu.memory_space<vmem>> -> memref<1x48x128xf32, #tpu.memory_space<vmem>>
      %dma_wait3A_260 = tpu.memref_squeeze %dma_wait3A_259 : memref<1x48x128xf32, #tpu.memory_space<vmem>> -> memref<48x128xf32, #tpu.memory_space<vmem>>
      %dma_wait3A_261 = arith.constant 0 : i32
      %dma_wait3A_262 = tpu.memref_slice %arg8[%rem3A_255, %dma_wait3A_256, %dma_wait3A_261] : memref<7x2x48xi32, #tpu.memory_space<vmem>> -> memref<1x1x48xi32, #tpu.memory_space<vmem>>
      %dma_wait3A_263 = tpu.memref_squeeze %dma_wait3A_262 : memref<1x1x48xi32, #tpu.memory_space<vmem>> -> memref<48xi32, #tpu.memory_space<vmem>>
      %dma_wait3A_264 = arith.constant 0 : i32
      %dma_wait3A_265 = arith.constant 0 : i32
      %dma_wait3A_266 = tpu.memref_slice %arg2[%dma_wait3A_264, %dma_wait3A_265] : memref<10112x128xf32, #tpu.memory_space<hbm>> -> memref<10112x128xf32, #tpu.memory_space<hbm>>
      tpu.wait_indirect_dma semaphore(%arg15 : memref<!tpu.dma_semaphore, #tpu.memory_space<semaphore_mem>>) src(%dma_wait3A_266 : memref<10112x128xf32, #tpu.memory_space<hbm>>) dst(%dma_wait3A_260 : memref<48x128xf32, #tpu.memory_space<vmem>>)
      %dma_start3A_267 = arith.constant 1 : i32
      %dma_start3A_268 = arith.constant 0 : i32
      %dma_start3A_269 = arith.constant 0 : i32
      %dma_start3A_270 = tpu.memref_slice %arg9[%rem3A_253, %dma_start3A_268, %dma_start3A_269] : memref<6x48x128xf32, #tpu.memory_space<vmem>> -> memref<1x48x128xf32, #tpu.memory_space<vmem>>
      %dma_start3A_271 = tpu.memref_squeeze %dma_start3A_270 : memref<1x48x128xf32, #tpu.memory_space<vmem>> -> memref<48x128xf32, #tpu.memory_space<vmem>>
      %dma_start3A_272 = arith.constant 0 : i32
      %dma_start3A_273 = tpu.memref_slice %arg8[%rem3A_255, %dma_start3A_267, %dma_start3A_272] : memref<7x2x48xi32, #tpu.memory_space<vmem>> -> memref<1x1x48xi32, #tpu.memory_space<vmem>>
      %dma_start3A_274 = tpu.memref_squeeze %dma_start3A_273 : memref<1x1x48xi32, #tpu.memory_space<vmem>> -> memref<48xi32, #tpu.memory_space<vmem>>
      %dma_start3A_275 = arith.constant 0 : i32
      %dma_start3A_276 = arith.constant 0 : i32
      %dma_start3A_277 = tpu.memref_slice %arg12[%dma_start3A_275, %dma_start3A_276] : memref<10112x128xf32, #tpu.memory_space<vmem_shared>> -> memref<10112x128xf32, #tpu.memory_space<vmem_shared>>
      tpu.enqueue_indirect_dma source(%dma_start3A_271 : memref<48x128xf32, #tpu.memory_space<vmem>>) target(%dma_start3A_277 : memref<10112x128xf32, #tpu.memory_space<vmem_shared>>) offsets(%dma_start3A_274 : memref<48xi32, #tpu.memory_space<vmem>>) semaphore(%arg16 : memref<!tpu.dma_semaphore, #tpu.memory_space<semaphore_mem>>) {add = true}
      %ge3A = arith.constant 2 : i32
      %ge3A_278 = arith.cmpi sge, %scan3A_252, %ge3A : i32
      %convert_element_type3A_279 = arith.extui %ge3A_278 : i1 to i32
      %cond3A_280 = arith.constant 0 : i32
      %cond3A_281 = arith.cmpi ne, %convert_element_type3A_279, %cond3A_280 : i32
      scf.if %cond3A_281 {
        %add3A_340 = arith.constant 6 : i32
        %add3A_341 = arith.addi %scan3A_252, %add3A_340 : i32
        %sub3A = arith.constant 2 : i32
        %sub3A_342 = arith.subi %add3A_341, %sub3A : i32
        %rem3A_343 = arith.constant 6 : i32
        %rem3A_344 = arith.remsi %sub3A_342, %rem3A_343 : i32
        %add3A_345 = arith.constant 7 : i32
        %add3A_346 = arith.addi %scan3A_252, %add3A_345 : i32
        %sub3A_347 = arith.constant 2 : i32
        %sub3A_348 = arith.subi %add3A_346, %sub3A_347 : i32
        %rem3A_349 = arith.constant 7 : i32
        %rem3A_350 = arith.remsi %sub3A_348, %rem3A_349 : i32
        %dma_wait3A_351 = arith.constant 1 : i32
        %dma_wait3A_352 = arith.constant 0 : i32
        %dma_wait3A_353 = arith.constant 0 : i32
        %dma_wait3A_354 = tpu.memref_slice %arg9[%rem3A_344, %dma_wait3A_352, %dma_wait3A_353] : memref<6x48x128xf32, #tpu.memory_space<vmem>> -> memref<1x48x128xf32, #tpu.memory_space<vmem>>
        %dma_wait3A_355 = tpu.memref_squeeze %dma_wait3A_354 : memref<1x48x128xf32, #tpu.memory_space<vmem>> -> memref<48x128xf32, #tpu.memory_space<vmem>>
        %dma_wait3A_356 = arith.constant 0 : i32
        %dma_wait3A_357 = tpu.memref_slice %arg8[%rem3A_350, %dma_wait3A_351, %dma_wait3A_356] : memref<7x2x48xi32, #tpu.memory_space<vmem>> -> memref<1x1x48xi32, #tpu.memory_space<vmem>>
        %dma_wait3A_358 = tpu.memref_squeeze %dma_wait3A_357 : memref<1x1x48xi32, #tpu.memory_space<vmem>> -> memref<48xi32, #tpu.memory_space<vmem>>
        %dma_wait3A_359 = arith.constant 0 : i32
        %dma_wait3A_360 = arith.constant 0 : i32
        %dma_wait3A_361 = tpu.memref_slice %arg12[%dma_wait3A_359, %dma_wait3A_360] : memref<10112x128xf32, #tpu.memory_space<vmem_shared>> -> memref<10112x128xf32, #tpu.memory_space<vmem_shared>>
        tpu.wait_indirect_dma semaphore(%arg16 : memref<!tpu.dma_semaphore, #tpu.memory_space<semaphore_mem>>) src(%dma_wait3A_355 : memref<48x128xf32, #tpu.memory_space<vmem>>) dst(%dma_wait3A_361 : memref<10112x128xf32, #tpu.memory_space<vmem_shared>>)
      } else {
      }
      %add3A = arith.constant 4 : i32
      %add3A_282 = arith.addi %scan3A_252, %add3A : i32
      %add3A_283 = arith.constant 1 : i32
      %add3A_284 = arith.addi %add3A_282, %add3A_283 : i32
      %lt3A_285 = arith.constant 209 : i32
      %lt3A_286 = arith.cmpi slt, %add3A_284, %lt3A_285 : i32
      %convert_element_type3A_287 = arith.extui %lt3A_286 : i1 to i32
      %cond3A_288 = arith.constant 0 : i32
      %cond3A_289 = arith.cmpi ne, %convert_element_type3A_287, %cond3A_288 : i32
      scf.if %cond3A_289 {
        %add3A_340 = arith.constant 4 : i32
        %add3A_341 = arith.addi %scan3A_252, %add3A_340 : i32
        %add3A_342 = arith.constant 1 : i32
        %add3A_343 = arith.addi %add3A_341, %add3A_342 : i32
        %rem3A_344 = arith.constant 7 : i32
        %rem3A_345 = arith.remsi %add3A_343, %rem3A_344 : i32
        %add3A_346 = arith.constant 4 : i32
        %add3A_347 = arith.addi %scan3A_252, %add3A_346 : i32
        %add3A_348 = arith.constant 1 : i32
        %add3A_349 = arith.addi %add3A_347, %add3A_348 : i32
        %dma_start3A_350 = arith.constant 0 : i32
        %dma_start3A_351 = arith.constant 0 : i32
        %dma_start3A_352 = tpu.memref_slice %arg8[%rem3A_345, %dma_start3A_350, %dma_start3A_351] : memref<7x2x48xi32, #tpu.memory_space<vmem>> -> memref<1x2x48xi32, #tpu.memory_space<vmem>>
        %dma_start3A_353 = tpu.memref_squeeze %dma_start3A_352 : memref<1x2x48xi32, #tpu.memory_space<vmem>> -> memref<2x48xi32, #tpu.memory_space<vmem>>
        %dma_start3A_354 = arith.constant 0 : i32
        %dma_start3A_355 = arith.constant 0 : i32
        %dma_start3A_356 = tpu.memref_slice %arg3[%arg0, %arg1, %add3A_349, %dma_start3A_354, %dma_start3A_355] : memref<2x16x209x2x48xi32, #tpu.memory_space<hbm>> -> memref<1x1x1x2x48xi32, #tpu.memory_space<hbm>>
        %dma_start3A_357 = tpu.memref_squeeze %dma_start3A_356 : memref<1x1x1x2x48xi32, #tpu.memory_space<hbm>> -> memref<2x48xi32, #tpu.memory_space<hbm>>
        %dma_start3A_358 = arith.constant 0 : i32
        %dma_start3A_359 = arith.constant 0 : i32
        %dma_start3A_360 = tpu.memref_slice %arg8[%rem3A_345, %dma_start3A_358, %dma_start3A_359] : memref<7x2x48xi32, #tpu.memory_space<vmem>> -> memref<1x2x48xi32, #tpu.memory_space<vmem>>
        %dma_start3A_361 = tpu.memref_squeeze %dma_start3A_360 : memref<1x2x48xi32, #tpu.memory_space<vmem>> -> memref<2x48xi32, #tpu.memory_space<vmem>>
        %dma_start3A_362 = arith.constant 0 : i32
        %dma_start3A_363 = arith.constant 0 : i32
        %dma_start3A_364 = tpu.memref_slice %arg3[%arg0, %arg1, %add3A_349, %dma_start3A_362, %dma_start3A_363] : memref<2x16x209x2x48xi32, #tpu.memory_space<hbm>> -> memref<1x1x1x2x48xi32, #tpu.memory_space<hbm>>
        %dma_start3A_365 = tpu.memref_squeeze %dma_start3A_364 : memref<1x1x1x2x48xi32, #tpu.memory_space<hbm>> -> memref<2x48xi32, #tpu.memory_space<hbm>>
        tpu.enqueue_dma source(%dma_start3A_365 : memref<2x48xi32, #tpu.memory_space<hbm>>) target(%dma_start3A_361 : memref<2x48xi32, #tpu.memory_space<vmem>>) target_semaphore(%arg14 : memref<!tpu.dma_semaphore, #tpu.memory_space<semaphore_mem>>)
      } else {
      }
      %add3A_290 = arith.constant 4 : i32
      %add3A_291 = arith.addi %scan3A_252, %add3A_290 : i32
      %lt3A_292 = arith.constant 209 : i32
      %lt3A_293 = arith.cmpi slt, %add3A_291, %lt3A_292 : i32
      %convert_element_type3A_294 = arith.extui %lt3A_293 : i1 to i32
      %cond3A_295 = arith.constant 0 : i32
      %cond3A_296 = arith.cmpi ne, %convert_element_type3A_294, %cond3A_295 : i32
      scf.if %cond3A_296 {
        %add3A_340 = arith.constant 4 : i32
        %add3A_341 = arith.addi %scan3A_252, %add3A_340 : i32
        %rem3A_342 = arith.constant 6 : i32
        %rem3A_343 = arith.remsi %add3A_341, %rem3A_342 : i32
        %add3A_344 = arith.constant 4 : i32
        %add3A_345 = arith.addi %scan3A_252, %add3A_344 : i32
        %rem3A_346 = arith.constant 7 : i32
        %rem3A_347 = arith.remsi %add3A_345, %rem3A_346 : i32
        %add3A_348 = arith.constant 4 : i32
        %add3A_349 = arith.addi %scan3A_252, %add3A_348 : i32
        %dma_wait3A_350 = arith.constant 0 : i32
        %dma_wait3A_351 = arith.constant 0 : i32
        %dma_wait3A_352 = tpu.memref_slice %arg8[%rem3A_347, %dma_wait3A_350, %dma_wait3A_351] : memref<7x2x48xi32, #tpu.memory_space<vmem>> -> memref<1x2x48xi32, #tpu.memory_space<vmem>>
        %dma_wait3A_353 = tpu.memref_squeeze %dma_wait3A_352 : memref<1x2x48xi32, #tpu.memory_space<vmem>> -> memref<2x48xi32, #tpu.memory_space<vmem>>
        %dma_wait3A_354 = arith.constant 0 : i32
        %dma_wait3A_355 = arith.constant 0 : i32
        %dma_wait3A_356 = tpu.memref_slice %arg3[%arg0, %arg1, %add3A_349, %dma_wait3A_354, %dma_wait3A_355] : memref<2x16x209x2x48xi32, #tpu.memory_space<hbm>> -> memref<1x1x1x2x48xi32, #tpu.memory_space<hbm>>
        %dma_wait3A_357 = tpu.memref_squeeze %dma_wait3A_356 : memref<1x1x1x2x48xi32, #tpu.memory_space<hbm>> -> memref<2x48xi32, #tpu.memory_space<hbm>>
        %dma_wait3A_358 = arith.constant 0 : i32
        %dma_wait3A_359 = arith.constant 0 : i32
        %dma_wait3A_360 = tpu.memref_slice %arg8[%rem3A_347, %dma_wait3A_358, %dma_wait3A_359] : memref<7x2x48xi32, #tpu.memory_space<vmem>> -> memref<1x2x48xi32, #tpu.memory_space<vmem>>
        %dma_wait3A_361 = tpu.memref_squeeze %dma_wait3A_360 : memref<1x2x48xi32, #tpu.memory_space<vmem>> -> memref<2x48xi32, #tpu.memory_space<vmem>>
        %dma_wait3A_362 = arith.constant 0 : i32
        %dma_wait3A_363 = arith.constant 0 : i32
        %dma_wait3A_364 = tpu.memref_slice %arg3[%arg0, %arg1, %add3A_349, %dma_wait3A_362, %dma_wait3A_363] : memref<2x16x209x2x48xi32, #tpu.memory_space<hbm>> -> memref<1x1x1x2x48xi32, #tpu.memory_space<hbm>>
        %dma_wait3A_365 = tpu.memref_squeeze %dma_wait3A_364 : memref<1x1x1x2x48xi32, #tpu.memory_space<hbm>> -> memref<2x48xi32, #tpu.memory_space<hbm>>
        tpu.wait_dma2 semaphore(%arg14 : memref<!tpu.dma_semaphore, #tpu.memory_space<semaphore_mem>>) src(%dma_wait3A_365 : memref<2x48xi32, #tpu.memory_space<hbm>>) dst(%dma_wait3A_361 : memref<2x48xi32, #tpu.memory_space<vmem>>)
        %dma_start3A_366 = arith.constant 0 : i32
        %dma_start3A_367 = arith.constant 0 : i32
        %dma_start3A_368 = arith.constant 0 : i32
        %dma_start3A_369 = tpu.memref_slice %arg9[%rem3A_343, %dma_start3A_367, %dma_start3A_368] : memref<6x48x128xf32, #tpu.memory_space<vmem>> -> memref<1x48x128xf32, #tpu.memory_space<vmem>>
        %dma_start3A_370 = tpu.memref_squeeze %dma_start3A_369 : memref<1x48x128xf32, #tpu.memory_space<vmem>> -> memref<48x128xf32, #tpu.memory_space<vmem>>
        %dma_start3A_371 = arith.constant 0 : i32
        %dma_start3A_372 = tpu.memref_slice %arg8[%rem3A_347, %dma_start3A_366, %dma_start3A_371] : memref<7x2x48xi32, #tpu.memory_space<vmem>> -> memref<1x1x48xi32, #tpu.memory_space<vmem>>
        %dma_start3A_373 = tpu.memref_squeeze %dma_start3A_372 : memref<1x1x48xi32, #tpu.memory_space<vmem>> -> memref<48xi32, #tpu.memory_space<vmem>>
        %dma_start3A_374 = arith.constant 0 : i32
        %dma_start3A_375 = arith.constant 0 : i32
        %dma_start3A_376 = tpu.memref_slice %arg2[%dma_start3A_374, %dma_start3A_375] : memref<10112x128xf32, #tpu.memory_space<hbm>> -> memref<10112x128xf32, #tpu.memory_space<hbm>>
        tpu.enqueue_indirect_dma source(%dma_start3A_376 : memref<10112x128xf32, #tpu.memory_space<hbm>>) target(%dma_start3A_370 : memref<48x128xf32, #tpu.memory_space<vmem>>) offsets(%dma_start3A_373 : memref<48xi32, #tpu.memory_space<vmem>>) semaphore(%arg15 : memref<!tpu.dma_semaphore, #tpu.memory_space<semaphore_mem>>)
      } else {
      }
      %get3A = arith.constant 1 : i32
      %get3A_297 = arith.index_cast %rem3A_255 : i32 to index
      %get3A_298 = arith.index_cast %get3A : i32 to index
      %get3A_299 = arith.constant 0 : index
      %get3A_300 = tpu.vector_load %arg8[%get3A_297, %get3A_298, %get3A_299] {strides = array<i32>} : memref<7x2x48xi32, #tpu.memory_space<vmem>>, vector<16xi32>,
      %broadcast_in_dim3A = arith.constant true
      %broadcast_in_dim3A_301 = vector.broadcast %broadcast_in_dim3A : i1 to vector<16xi1>
      %unique3A, %unique3A_302 = tpu.scan_count mask(%broadcast_in_dim3A_301 : vector<16xi1>) value(%get3A_300 : vector<16xi32>) : vector<16xi1>, vector<16xi32>
      %shift_right_logical3A = arith.constant 7 : i32
      %shift_right_logical3A_303 = vector.broadcast %shift_right_logical3A : i32 to vector<16xi32>
      %shift_right_logical3A_304 = arith.shrui %get3A_300, %shift_right_logical3A_303 : vector<16xi32>
      %and3A = arith.constant 127 : i32
      %and3A_305 = vector.broadcast %and3A : i32 to vector<16xi32>
      %and3A_306 = arith.andi %get3A_300, %and3A_305 : vector<16xi32>
      %convert_element_type3A_307 = arith.sitofp %unique3A_302 : vector<16xi32> to vector<16xf32>
      tpu.vector_store_idx %arg10[%shift_right_logical3A_304, %and3A_306], %convert_element_type3A_307 masked %unique3A {add = true} : memref<80x128xf32, #tpu.memory_space<vmem>>[vector<16xi32>, vector<16xi32>], vector<16xf32>, vector<16xi1>
      %get3A_308 = arith.constant 1 : i32
      %get3A_309 = arith.index_cast %rem3A_255 : i32 to index
      %get3A_310 = arith.index_cast %get3A_308 : i32 to index
      %get3A_311 = arith.constant 16 : index
      %get3A_312 = tpu.vector_load %arg8[%get3A_309, %get3A_310, %get3A_311] {strides = array<i32>} : memref<7x2x48xi32, #tpu.memory_space<vmem>>, vector<16xi32>,
      %broadcast_in_dim3A_313 = arith.constant true
      %broadcast_in_dim3A_314 = vector.broadcast %broadcast_in_dim3A_313 : i1 to vector<16xi1>
      %unique3A_315, %unique3A_316 = tpu.scan_count mask(%broadcast_in_dim3A_314 : vector<16xi1>) value(%get3A_312 : vector<16xi32>) : vector<16xi1>, vector<16xi32>
      %shift_right_logical3A_317 = arith.constant 7 : i32
      %shift_right_logical3A_318 = vector.broadcast %shift_right_logical3A_317 : i32 to vector<16xi32>
      %shift_right_logical3A_319 = arith.shrui %get3A_312, %shift_right_logical3A_318 : vector<16xi32>
      %and3A_320 = arith.constant 127 : i32
      %and3A_321 = vector.broadcast %and3A_320 : i32 to vector<16xi32>
      %and3A_322 = arith.andi %get3A_312, %and3A_321 : vector<16xi32>
      %convert_element_type3A_323 = arith.sitofp %unique3A_316 : vector<16xi32> to vector<16xf32>
      tpu.vector_store_idx %arg10[%shift_right_logical3A_319, %and3A_322], %convert_element_type3A_323 masked %unique3A_315 {add = true} : memref<80x128xf32, #tpu.memory_space<vmem>>[vector<16xi32>, vector<16xi32>], vector<16xf32>, vector<16xi1>
      %get3A_324 = arith.constant 1 : i32
      %get3A_325 = arith.index_cast %rem3A_255 : i32 to index
      %get3A_326 = arith.index_cast %get3A_324 : i32 to index
      %get3A_327 = arith.constant 32 : index
      %get3A_328 = tpu.vector_load %arg8[%get3A_325, %get3A_326, %get3A_327] {strides = array<i32>} : memref<7x2x48xi32, #tpu.memory_space<vmem>>, vector<16xi32>,
      %broadcast_in_dim3A_329 = arith.constant true
      %broadcast_in_dim3A_330 = vector.broadcast %broadcast_in_dim3A_329 : i1 to vector<16xi1>
      %unique3A_331, %unique3A_332 = tpu.scan_count mask(%broadcast_in_dim3A_330 : vector<16xi1>) value(%get3A_328 : vector<16xi32>) : vector<16xi1>, vector<16xi32>
      %shift_right_logical3A_333 = arith.constant 7 : i32
      %shift_right_logical3A_334 = vector.broadcast %shift_right_logical3A_333 : i32 to vector<16xi32>
      %shift_right_logical3A_335 = arith.shrui %get3A_328, %shift_right_logical3A_334 : vector<16xi32>
      %and3A_336 = arith.constant 127 : i32
      %and3A_337 = vector.broadcast %and3A_336 : i32 to vector<16xi32>
      %and3A_338 = arith.andi %get3A_328, %and3A_337 : vector<16xi32>
      %convert_element_type3A_339 = arith.sitofp %unique3A_332 : vector<16xi32> to vector<16xf32>
      tpu.vector_store_idx %arg10[%shift_right_logical3A_335, %and3A_338], %convert_element_type3A_339 masked %unique3A_331 {add = true} : memref<80x128xf32, #tpu.memory_space<vmem>>[vector<16xi32>, vector<16xi32>], vector<16xf32>, vector<16xi1>
    }
    %scan3A_219 = arith.constant 209 : i32
    %dma_wait3A_220 = arith.constant 3 : i32
    %dma_wait3A_221 = arith.constant 4 : i32
    %dma_wait3A_222 = arith.constant 1 : i32
    %dma_wait3A_223 = arith.constant 0 : i32
    %dma_wait3A_224 = arith.constant 0 : i32
    %dma_wait3A_225 = tpu.memref_slice %arg9[%dma_wait3A_220, %dma_wait3A_223, %dma_wait3A_224] : memref<6x48x128xf32, #tpu.memory_space<vmem>> -> memref<1x48x128xf32, #tpu.memory_space<vmem>>
    %dma_wait3A_226 = tpu.memref_squeeze %dma_wait3A_225 : memref<1x48x128xf32, #tpu.memory_space<vmem>> -> memref<48x128xf32, #tpu.memory_space<vmem>>
    %dma_wait3A_227 = arith.constant 0 : i32
    %dma_wait3A_228 = tpu.memref_slice %arg8[%dma_wait3A_221, %dma_wait3A_222, %dma_wait3A_227] : memref<7x2x48xi32, #tpu.memory_space<vmem>> -> memref<1x1x48xi32, #tpu.memory_space<vmem>>
    %dma_wait3A_229 = tpu.memref_squeeze %dma_wait3A_228 : memref<1x1x48xi32, #tpu.memory_space<vmem>> -> memref<48xi32, #tpu.memory_space<vmem>>
    %dma_wait3A_230 = arith.constant 0 : i32
    %dma_wait3A_231 = arith.constant 0 : i32
    %dma_wait3A_232 = tpu.memref_slice %arg12[%dma_wait3A_230, %dma_wait3A_231] : memref<10112x128xf32, #tpu.memory_space<vmem_shared>> -> memref<10112x128xf32, #tpu.memory_space<vmem_shared>>
    tpu.wait_indirect_dma semaphore(%arg16 : memref<!tpu.dma_semaphore, #tpu.memory_space<semaphore_mem>>) src(%dma_wait3A_226 : memref<48x128xf32, #tpu.memory_space<vmem>>) dst(%dma_wait3A_232 : memref<10112x128xf32, #tpu.memory_space<vmem_shared>>)
    %dma_wait3A_233 = arith.constant 4 : i32
    %dma_wait3A_234 = arith.constant 5 : i32
    %dma_wait3A_235 = arith.constant 1 : i32
    %dma_wait3A_236 = arith.constant 0 : i32
    %dma_wait3A_237 = arith.constant 0 : i32
    %dma_wait3A_238 = tpu.memref_slice %arg9[%dma_wait3A_233, %dma_wait3A_236, %dma_wait3A_237] : memref<6x48x128xf32, #tpu.memory_space<vmem>> -> memref<1x48x128xf32, #tpu.memory_space<vmem>>
    %dma_wait3A_239 = tpu.memref_squeeze %dma_wait3A_238 : memref<1x48x128xf32, #tpu.memory_space<vmem>> -> memref<48x128xf32, #tpu.memory_space<vmem>>
    %dma_wait3A_240 = arith.constant 0 : i32
    %dma_wait3A_241 = tpu.memref_slice %arg8[%dma_wait3A_234, %dma_wait3A_235, %dma_wait3A_240] : memref<7x2x48xi32, #tpu.memory_space<vmem>> -> memref<1x1x48xi32, #tpu.memory_space<vmem>>
    %dma_wait3A_242 = tpu.memref_squeeze %dma_wait3A_241 : memref<1x1x48xi32, #tpu.memory_space<vmem>> -> memref<48xi32, #tpu.memory_space<vmem>>
    %dma_wait3A_243 = arith.constant 0 : i32
    %dma_wait3A_244 = arith.constant 0 : i32
    %dma_wait3A_245 = tpu.memref_slice %arg12[%dma_wait3A_243, %dma_wait3A_244] : memref<10112x128xf32, #tpu.memory_space<vmem_shared>> -> memref<10112x128xf32, #tpu.memory_space<vmem_shared>>
    tpu.wait_indirect_dma semaphore(%arg16 : memref<!tpu.dma_semaphore, #tpu.memory_space<semaphore_mem>>) src(%dma_wait3A_239 : memref<48x128xf32, #tpu.memory_space<vmem>>) dst(%dma_wait3A_245 : memref<10112x128xf32, #tpu.memory_space<vmem_shared>>)
    %run_scoped3A = arith.constant 0 : i32
    "tpu.region"() ({
      %run_scoped3A_252 = tpu.sem_alloc : memref<!tpu.dma_semaphore, #tpu.memory_space<semaphore_mem>>
      %dma_start3A_253 = arith.constant 0 : i32
      %dma_start3A_254 = tpu.memref_slice %arg11[%run_scoped3A, %dma_start3A_253] : memref<1x80xi32, #tpu.memory_space<vmem>> -> memref<1x80xi32, #tpu.memory_space<vmem>>
      %dma_start3A_255 = tpu.memref_squeeze %dma_start3A_254 : memref<1x80xi32, #tpu.memory_space<vmem>> -> memref<80xi32, #tpu.memory_space<vmem>>
      %dma_start3A_256 = arith.constant 0 : i32
      %dma_start3A_257 = arith.constant 0 : i32
      %dma_start3A_258 = tpu.memref_slice %arg13[%dma_start3A_256, %dma_start3A_257] : memref<80x128xf32, #tpu.memory_space<vmem_shared>> -> memref<80x128xf32, #tpu.memory_space<vmem_shared>>
      tpu.enqueue_indirect_dma source(%arg10 : memref<80x128xf32, #tpu.memory_space<vmem>>) target(%dma_start3A_258 : memref<80x128xf32, #tpu.memory_space<vmem_shared>>) offsets(%dma_start3A_255 : memref<80xi32, #tpu.memory_space<vmem>>) semaphore(%run_scoped3A_252 : memref<!tpu.dma_semaphore, #tpu.memory_space<semaphore_mem>>) {add = true}
      %dma_wait3A_259 = arith.constant 0 : i32
      %dma_wait3A_260 = tpu.memref_slice %arg11[%run_scoped3A, %dma_wait3A_259] : memref<1x80xi32, #tpu.memory_space<vmem>> -> memref<1x80xi32, #tpu.memory_space<vmem>>
      %dma_wait3A_261 = tpu.memref_squeeze %dma_wait3A_260 : memref<1x80xi32, #tpu.memory_space<vmem>> -> memref<80xi32, #tpu.memory_space<vmem>>
      %dma_wait3A_262 = arith.constant 0 : i32
      %dma_wait3A_263 = arith.constant 0 : i32
      %dma_wait3A_264 = tpu.memref_slice %arg13[%dma_wait3A_262, %dma_wait3A_263] : memref<80x128xf32, #tpu.memory_space<vmem_shared>> -> memref<80x128xf32, #tpu.memory_space<vmem_shared>>
      tpu.wait_indirect_dma semaphore(%run_scoped3A_252 : memref<!tpu.dma_semaphore, #tpu.memory_space<semaphore_mem>>) src(%arg10 : memref<80x128xf32, #tpu.memory_space<vmem>>) dst(%dma_wait3A_264 : memref<80x128xf32, #tpu.memory_space<vmem_shared>>)
      tpu.yield
    }) : () -> ()
    %barrier3A_246 = arith.constant 0 : index
    tpu.barrier barrier_id(%barrier3A_246)
    "tpu.region"() ({
      %run_scoped3A_252 = tpu.sem_alloc : memref<!tpu.dma_semaphore, #tpu.memory_space<semaphore_mem>>
      %dma_start3A_253 = arith.constant 0 : i32
      %dma_start3A_254 = tpu.memref_slice %arg6[%arg0, %mul3A_0, %dma_start3A_253] : memref<2x10112x128xf32, #tpu.memory_space<hbm>> -> memref<1x632x128xf32, #tpu.memory_space<hbm>>
      %dma_start3A_255 = tpu.memref_squeeze %dma_start3A_254 : memref<1x632x128xf32, #tpu.memory_space<hbm>> -> memref<632x128xf32, #tpu.memory_space<hbm>>
      %dma_start3A_256 = arith.constant 0 : i32
      %dma_start3A_257 = tpu.memref_slice %arg12[%mul3A_0, %dma_start3A_256] : memref<10112x128xf32, #tpu.memory_space<vmem_shared>> -> memref<632x128xf32, #tpu.memory_space<vmem_shared>>
      tpu.enqueue_dma source(%dma_start3A_257 : memref<632x128xf32, #tpu.memory_space<vmem_shared>>) target(%dma_start3A_255 : memref<632x128xf32, #tpu.memory_space<hbm>>) target_semaphore(%run_scoped3A_252 : memref<!tpu.dma_semaphore, #tpu.memory_space<semaphore_mem>>)
      %dma_wait3A_258 = arith.constant 0 : i32
      %dma_wait3A_259 = tpu.memref_slice %arg6[%arg0, %mul3A_0, %dma_wait3A_258] : memref<2x10112x128xf32, #tpu.memory_space<hbm>> -> memref<1x632x128xf32, #tpu.memory_space<hbm>>
      %dma_wait3A_260 = tpu.memref_squeeze %dma_wait3A_259 : memref<1x632x128xf32, #tpu.memory_space<hbm>> -> memref<632x128xf32, #tpu.memory_space<hbm>>
      %dma_wait3A_261 = arith.constant 0 : i32
      %dma_wait3A_262 = tpu.memref_slice %arg12[%mul3A_0, %dma_wait3A_261] : memref<10112x128xf32, #tpu.memory_space<vmem_shared>> -> memref<632x128xf32, #tpu.memory_space<vmem_shared>>
      tpu.wait_dma2 semaphore(%run_scoped3A_252 : memref<!tpu.dma_semaphore, #tpu.memory_space<semaphore_mem>>) src(%dma_wait3A_262 : memref<632x128xf32, #tpu.memory_space<vmem_shared>>) dst(%dma_wait3A_260 : memref<632x128xf32, #tpu.memory_space<hbm>>)
      tpu.yield
    }) : () -> ()
    %lt3A_247 = arith.constant 10 : i32
    %lt3A_248 = arith.cmpi slt, %arg1, %lt3A_247 : i32
    %convert_element_type3A_249 = arith.extui %lt3A_248 : i1 to i32
    %cond3A_250 = arith.constant 0 : i32
    %cond3A_251 = arith.cmpi ne, %convert_element_type3A_249, %cond3A_250 : i32
    scf.if %cond3A_251 {
      %mul3A_252 = arith.constant 8 : i32
      %mul3A_253 = arith.muli %arg1, %mul3A_252 : i32
      %mul3A_254 = arith.constant 8 : i32
      %mul3A_255 = arith.muli %arg1, %mul3A_254 : i32
      "tpu.region"() ({
        %run_scoped3A_256 = tpu.sem_alloc : memref<!tpu.dma_semaphore, #tpu.memory_space<semaphore_mem>>
        %dma_start3A_257 = arith.constant 0 : i32
        %dma_start3A_258 = tpu.memref_slice %arg7[%arg0, %mul3A_255, %dma_start3A_257] : memref<2x80x128xf32, #tpu.memory_space<hbm>> -> memref<1x8x128xf32, #tpu.memory_space<hbm>>
        %dma_start3A_259 = tpu.memref_squeeze %dma_start3A_258 : memref<1x8x128xf32, #tpu.memory_space<hbm>> -> memref<8x128xf32, #tpu.memory_space<hbm>>
        %dma_start3A_260 = arith.constant 0 : i32
        %dma_start3A_261 = tpu.memref_slice %arg13[%mul3A_253, %dma_start3A_260] : memref<80x128xf32, #tpu.memory_space<vmem_shared>> -> memref<8x128xf32, #tpu.memory_space<vmem_shared>>
        tpu.enqueue_dma source(%dma_start3A_261 : memref<8x128xf32, #tpu.memory_space<vmem_shared>>) target(%dma_start3A_259 : memref<8x128xf32, #tpu.memory_space<hbm>>) target_semaphore(%run_scoped3A_256 : memref<!tpu.dma_semaphore, #tpu.memory_space<semaphore_mem>>)
        %dma_wait3A_262 = arith.constant 0 : i32
        %dma_wait3A_263 = tpu.memref_slice %arg7[%arg0, %mul3A_255, %dma_wait3A_262] : memref<2x80x128xf32, #tpu.memory_space<hbm>> -> memref<1x8x128xf32, #tpu.memory_space<hbm>>
        %dma_wait3A_264 = tpu.memref_squeeze %dma_wait3A_263 : memref<1x8x128xf32, #tpu.memory_space<hbm>> -> memref<8x128xf32, #tpu.memory_space<hbm>>
        %dma_wait3A_265 = arith.constant 0 : i32
        %dma_wait3A_266 = tpu.memref_slice %arg13[%mul3A_253, %dma_wait3A_265] : memref<80x128xf32, #tpu.memory_space<vmem_shared>> -> memref<8x128xf32, #tpu.memory_space<vmem_shared>>
        tpu.wait_dma2 semaphore(%run_scoped3A_256 : memref<!tpu.dma_semaphore, #tpu.memory_space<semaphore_mem>>) src(%dma_wait3A_266 : memref<8x128xf32, #tpu.memory_space<vmem_shared>>) dst(%dma_wait3A_264 : memref<8x128xf32, #tpu.memory_space<hbm>>)
        tpu.yield
      }) : () -> ()
    } else {
    }
    return
  }
}

#map = affine_map<(d0, d1) -> (0, 0)>
#map1 = affine_map<(d0, d1) -> (0, 0, 0, 0, 0)>
#map2 = affine_map<(d0, d1) -> (0, 0, 0)>
module attributes {stable_mosaic.version = 14 : i64} {
  func.func @gcn_sc_prop2(%arg0: i32, %arg1: i32, %arg2: memref<10112x128xf32, #tpu.memory_space<hbm>>, %arg3: memref<2x16x209x2x48xi32, #tpu.memory_space<hbm>>, %arg4: memref<632x128xf32, #tpu.memory_space<hbm>>, %arg5: memref<1x80xi32, #tpu.memory_space<hbm>>, %arg6: memref<2x10112x128xf32, #tpu.memory_space<hbm>>, %arg7: memref<2x80x128xf32, #tpu.memory_space<hbm>>, %arg8: memref<7x2x48xi32, #tpu.memory_space<vmem>>, %arg9: memref<6x48x128xf32, #tpu.memory_space<vmem>>, %arg10: memref<80x128xf32, #tpu.memory_space<vmem>>, %arg11: memref<1x80xi32, #tpu.memory_space<vmem>>, %arg12: memref<10112x128xf32, #tpu.memory_space<vmem_shared>>, %arg13: memref<80x128xf32, #tpu.memory_space<vmem_shared>>, %arg14: memref<!tpu.dma_semaphore, #tpu.memory_space<semaphore_mem>>, %arg15: memref<!tpu.dma_semaphore, #tpu.memory_space<semaphore_mem>>, %arg16: memref<!tpu.dma_semaphore, #tpu.memory_space<semaphore_mem>>) attributes {dimension_semantics = [#tpu.dimension_semantics<core_parallel>, #tpu.dimension_semantics<subcore_parallel>], iteration_bounds = array<i64: 2, 16>, scalar_prefetch = 0 : i64, scratch_operands = 9 : i64, tpu.core_type = #tpu.core_type<sc_vector_subcore>, window_params = [{transform_indices = #map}, {transform_indices = #map1}, {transform_indices = #map}, {transform_indices = #map}, {transform_indices = #map2}, {transform_indices = #map2}]} {
    "tpu.region"() ({
      %run_scoped3A_252 = tpu.sem_alloc : memref<!tpu.dma_semaphore, #tpu.memory_space<semaphore_mem>>
      tpu.enqueue_dma source(%arg5 : memref<1x80xi32, #tpu.memory_space<hbm>>) target(%arg11 : memref<1x80xi32, #tpu.memory_space<vmem>>) target_semaphore(%run_scoped3A_252 : memref<!tpu.dma_semaphore, #tpu.memory_space<semaphore_mem>>)
      tpu.wait_dma2 semaphore(%run_scoped3A_252 : memref<!tpu.dma_semaphore, #tpu.memory_space<semaphore_mem>>) src(%arg5 : memref<1x80xi32, #tpu.memory_space<hbm>>) dst(%arg11 : memref<1x80xi32, #tpu.memory_space<vmem>>)
      tpu.yield
    }) : () -> ()
    "tpu.region"() ({
      %run_scoped3A_252 = tpu.sem_alloc : memref<!tpu.dma_semaphore, #tpu.memory_space<semaphore_mem>>
      %dma_start3A_253 = arith.constant 0 : i32
      %dma_start3A_254 = arith.constant 0 : i32
      %dma_start3A_255 = tpu.memref_slice %arg4[%dma_start3A_253, %dma_start3A_254] : memref<632x128xf32, #tpu.memory_space<hbm>> -> memref<80x128xf32, #tpu.memory_space<hbm>>
      %dma_start3A_256 = arith.constant 0 : i32
      %dma_start3A_257 = arith.constant 0 : i32
      %dma_start3A_258 = tpu.memref_slice %arg4[%dma_start3A_256, %dma_start3A_257] : memref<632x128xf32, #tpu.memory_space<hbm>> -> memref<80x128xf32, #tpu.memory_space<hbm>>
      tpu.enqueue_dma source(%dma_start3A_258 : memref<80x128xf32, #tpu.memory_space<hbm>>) target(%arg10 : memref<80x128xf32, #tpu.memory_space<vmem>>) target_semaphore(%run_scoped3A_252 : memref<!tpu.dma_semaphore, #tpu.memory_space<semaphore_mem>>)
      %dma_wait3A_259 = arith.constant 0 : i32
      %dma_wait3A_260 = arith.constant 0 : i32
      %dma_wait3A_261 = tpu.memref_slice %arg4[%dma_wait3A_259, %dma_wait3A_260] : memref<632x128xf32, #tpu.memory_space<hbm>> -> memref<80x128xf32, #tpu.memory_space<hbm>>
      %dma_wait3A_262 = arith.constant 0 : i32
      %dma_wait3A_263 = arith.constant 0 : i32
      %dma_wait3A_264 = tpu.memref_slice %arg4[%dma_wait3A_262, %dma_wait3A_263] : memref<632x128xf32, #tpu.memory_space<hbm>> -> memref<80x128xf32, #tpu.memory_space<hbm>>
      tpu.wait_dma2 semaphore(%run_scoped3A_252 : memref<!tpu.dma_semaphore, #tpu.memory_space<semaphore_mem>>) src(%dma_wait3A_264 : memref<80x128xf32, #tpu.memory_space<hbm>>) dst(%arg10 : memref<80x128xf32, #tpu.memory_space<vmem>>)
      tpu.yield
    }) : () -> ()
    %mul3A = arith.constant 632 : i32
    %mul3A_0 = arith.muli %arg1, %mul3A : i32
    "tpu.region"() ({
      %run_scoped3A_252 = tpu.sem_alloc : memref<!tpu.dma_semaphore, #tpu.memory_space<semaphore_mem>>
      %dma_start3A_253 = arith.constant 0 : i32
      %dma_start3A_254 = tpu.memref_slice %arg12[%mul3A_0, %dma_start3A_253] : memref<10112x128xf32, #tpu.memory_space<vmem_shared>> -> memref<632x128xf32, #tpu.memory_space<vmem_shared>>
      %dma_start3A_255 = arith.constant 0 : i32
      %dma_start3A_256 = arith.constant 0 : i32
      %dma_start3A_257 = tpu.memref_slice %arg4[%dma_start3A_255, %dma_start3A_256] : memref<632x128xf32, #tpu.memory_space<hbm>> -> memref<632x128xf32, #tpu.memory_space<hbm>>
      tpu.enqueue_dma source(%dma_start3A_257 : memref<632x128xf32, #tpu.memory_space<hbm>>) target(%dma_start3A_254 : memref<632x128xf32, #tpu.memory_space<vmem_shared>>) target_semaphore(%run_scoped3A_252 : memref<!tpu.dma_semaphore, #tpu.memory_space<semaphore_mem>>)
      %dma_wait3A_258 = arith.constant 0 : i32
      %dma_wait3A_259 = tpu.memref_slice %arg12[%mul3A_0, %dma_wait3A_258] : memref<10112x128xf32, #tpu.memory_space<vmem_shared>> -> memref<632x128xf32, #tpu.memory_space<vmem_shared>>
      %dma_wait3A_260 = arith.constant 0 : i32
      %dma_wait3A_261 = arith.constant 0 : i32
      %dma_wait3A_262 = tpu.memref_slice %arg4[%dma_wait3A_260, %dma_wait3A_261] : memref<632x128xf32, #tpu.memory_space<hbm>> -> memref<632x128xf32, #tpu.memory_space<hbm>>
      tpu.wait_dma2 semaphore(%run_scoped3A_252 : memref<!tpu.dma_semaphore, #tpu.memory_space<semaphore_mem>>) src(%dma_wait3A_262 : memref<632x128xf32, #tpu.memory_space<hbm>>) dst(%dma_wait3A_259 : memref<632x128xf32, #tpu.memory_space<vmem_shared>>)
      tpu.yield
    }) : () -> ()
    %lt3A = arith.constant 10 : i32
    %lt3A_1 = arith.cmpi slt, %arg1, %lt3A : i32
    %convert_element_type3A = arith.extui %lt3A_1 : i1 to i32
    %cond3A = arith.constant 0 : i32
    %cond3A_2 = arith.cmpi ne, %convert_element_type3A, %cond3A : i32
    scf.if %cond3A_2 {
      %mul3A_252 = arith.constant 8 : i32
      %mul3A_253 = arith.muli %arg1, %mul3A_252 : i32
      "tpu.region"() ({
        %run_scoped3A_254 = tpu.sem_alloc : memref<!tpu.dma_semaphore, #tpu.memory_space<semaphore_mem>>
        %dma_start3A_255 = arith.constant 0 : i32
        %dma_start3A_256 = tpu.memref_slice %arg13[%mul3A_253, %dma_start3A_255] : memref<80x128xf32, #tpu.memory_space<vmem_shared>> -> memref<8x128xf32, #tpu.memory_space<vmem_shared>>
        %dma_start3A_257 = arith.constant 0 : i32
        %dma_start3A_258 = arith.constant 0 : i32
        %dma_start3A_259 = tpu.memref_slice %arg4[%dma_start3A_257, %dma_start3A_258] : memref<632x128xf32, #tpu.memory_space<hbm>> -> memref<8x128xf32, #tpu.memory_space<hbm>>
        tpu.enqueue_dma source(%dma_start3A_259 : memref<8x128xf32, #tpu.memory_space<hbm>>) target(%dma_start3A_256 : memref<8x128xf32, #tpu.memory_space<vmem_shared>>) target_semaphore(%run_scoped3A_254 : memref<!tpu.dma_semaphore, #tpu.memory_space<semaphore_mem>>)
        %dma_wait3A_260 = arith.constant 0 : i32
        %dma_wait3A_261 = tpu.memref_slice %arg13[%mul3A_253, %dma_wait3A_260] : memref<80x128xf32, #tpu.memory_space<vmem_shared>> -> memref<8x128xf32, #tpu.memory_space<vmem_shared>>
        %dma_wait3A_262 = arith.constant 0 : i32
        %dma_wait3A_263 = arith.constant 0 : i32
        %dma_wait3A_264 = tpu.memref_slice %arg4[%dma_wait3A_262, %dma_wait3A_263] : memref<632x128xf32, #tpu.memory_space<hbm>> -> memref<8x128xf32, #tpu.memory_space<hbm>>
        tpu.wait_dma2 semaphore(%run_scoped3A_254 : memref<!tpu.dma_semaphore, #tpu.memory_space<semaphore_mem>>) src(%dma_wait3A_264 : memref<8x128xf32, #tpu.memory_space<hbm>>) dst(%dma_wait3A_261 : memref<8x128xf32, #tpu.memory_space<vmem_shared>>)
        tpu.yield
      }) : () -> ()
    } else {
    }
    %barrier3A = arith.constant 0 : index
    tpu.barrier barrier_id(%barrier3A)
    %dma_start3A = arith.constant 0 : i32
    %dma_start3A_3 = arith.constant 0 : i32
    %dma_start3A_4 = arith.constant 0 : i32
    %dma_start3A_5 = arith.constant 0 : i32
    %dma_start3A_6 = tpu.memref_slice %arg8[%dma_start3A_3, %dma_start3A_4, %dma_start3A_5] : memref<7x2x48xi32, #tpu.memory_space<vmem>> -> memref<1x2x48xi32, #tpu.memory_space<vmem>>
    %dma_start3A_7 = tpu.memref_squeeze %dma_start3A_6 : memref<1x2x48xi32, #tpu.memory_space<vmem>> -> memref<2x48xi32, #tpu.memory_space<vmem>>
    %dma_start3A_8 = arith.constant 0 : i32
    %dma_start3A_9 = arith.constant 0 : i32
    %dma_start3A_10 = tpu.memref_slice %arg3[%arg0, %arg1, %dma_start3A, %dma_start3A_8, %dma_start3A_9] : memref<2x16x209x2x48xi32, #tpu.memory_space<hbm>> -> memref<1x1x1x2x48xi32, #tpu.memory_space<hbm>>
    %dma_start3A_11 = tpu.memref_squeeze %dma_start3A_10 : memref<1x1x1x2x48xi32, #tpu.memory_space<hbm>> -> memref<2x48xi32, #tpu.memory_space<hbm>>
    %dma_start3A_12 = arith.constant 0 : i32
    %dma_start3A_13 = arith.constant 0 : i32
    %dma_start3A_14 = tpu.memref_slice %arg8[%dma_start3A_3, %dma_start3A_12, %dma_start3A_13] : memref<7x2x48xi32, #tpu.memory_space<vmem>> -> memref<1x2x48xi32, #tpu.memory_space<vmem>>
    %dma_start3A_15 = tpu.memref_squeeze %dma_start3A_14 : memref<1x2x48xi32, #tpu.memory_space<vmem>> -> memref<2x48xi32, #tpu.memory_space<vmem>>
    %dma_start3A_16 = arith.constant 0 : i32
    %dma_start3A_17 = arith.constant 0 : i32
    %dma_start3A_18 = tpu.memref_slice %arg3[%arg0, %arg1, %dma_start3A, %dma_start3A_16, %dma_start3A_17] : memref<2x16x209x2x48xi32, #tpu.memory_space<hbm>> -> memref<1x1x1x2x48xi32, #tpu.memory_space<hbm>>
    %dma_start3A_19 = tpu.memref_squeeze %dma_start3A_18 : memref<1x1x1x2x48xi32, #tpu.memory_space<hbm>> -> memref<2x48xi32, #tpu.memory_space<hbm>>
    tpu.enqueue_dma source(%dma_start3A_19 : memref<2x48xi32, #tpu.memory_space<hbm>>) target(%dma_start3A_15 : memref<2x48xi32, #tpu.memory_space<vmem>>) target_semaphore(%arg14 : memref<!tpu.dma_semaphore, #tpu.memory_space<semaphore_mem>>)
    %dma_start3A_20 = arith.constant 1 : i32
    %dma_start3A_21 = arith.constant 1 : i32
    %dma_start3A_22 = arith.constant 0 : i32
    %dma_start3A_23 = arith.constant 0 : i32
    %dma_start3A_24 = tpu.memref_slice %arg8[%dma_start3A_21, %dma_start3A_22, %dma_start3A_23] : memref<7x2x48xi32, #tpu.memory_space<vmem>> -> memref<1x2x48xi32, #tpu.memory_space<vmem>>
    %dma_start3A_25 = tpu.memref_squeeze %dma_start3A_24 : memref<1x2x48xi32, #tpu.memory_space<vmem>> -> memref<2x48xi32, #tpu.memory_space<vmem>>
    %dma_start3A_26 = arith.constant 0 : i32
    %dma_start3A_27 = arith.constant 0 : i32
    %dma_start3A_28 = tpu.memref_slice %arg3[%arg0, %arg1, %dma_start3A_20, %dma_start3A_26, %dma_start3A_27] : memref<2x16x209x2x48xi32, #tpu.memory_space<hbm>> -> memref<1x1x1x2x48xi32, #tpu.memory_space<hbm>>
    %dma_start3A_29 = tpu.memref_squeeze %dma_start3A_28 : memref<1x1x1x2x48xi32, #tpu.memory_space<hbm>> -> memref<2x48xi32, #tpu.memory_space<hbm>>
    %dma_start3A_30 = arith.constant 0 : i32
    %dma_start3A_31 = arith.constant 0 : i32
    %dma_start3A_32 = tpu.memref_slice %arg8[%dma_start3A_21, %dma_start3A_30, %dma_start3A_31] : memref<7x2x48xi32, #tpu.memory_space<vmem>> -> memref<1x2x48xi32, #tpu.memory_space<vmem>>
    %dma_start3A_33 = tpu.memref_squeeze %dma_start3A_32 : memref<1x2x48xi32, #tpu.memory_space<vmem>> -> memref<2x48xi32, #tpu.memory_space<vmem>>
    %dma_start3A_34 = arith.constant 0 : i32
    %dma_start3A_35 = arith.constant 0 : i32
    %dma_start3A_36 = tpu.memref_slice %arg3[%arg0, %arg1, %dma_start3A_20, %dma_start3A_34, %dma_start3A_35] : memref<2x16x209x2x48xi32, #tpu.memory_space<hbm>> -> memref<1x1x1x2x48xi32, #tpu.memory_space<hbm>>
    %dma_start3A_37 = tpu.memref_squeeze %dma_start3A_36 : memref<1x1x1x2x48xi32, #tpu.memory_space<hbm>> -> memref<2x48xi32, #tpu.memory_space<hbm>>
    tpu.enqueue_dma source(%dma_start3A_37 : memref<2x48xi32, #tpu.memory_space<hbm>>) target(%dma_start3A_33 : memref<2x48xi32, #tpu.memory_space<vmem>>) target_semaphore(%arg14 : memref<!tpu.dma_semaphore, #tpu.memory_space<semaphore_mem>>)
    %dma_start3A_38 = arith.constant 2 : i32
    %dma_start3A_39 = arith.constant 2 : i32
    %dma_start3A_40 = arith.constant 0 : i32
    %dma_start3A_41 = arith.constant 0 : i32
    %dma_start3A_42 = tpu.memref_slice %arg8[%dma_start3A_39, %dma_start3A_40, %dma_start3A_41] : memref<7x2x48xi32, #tpu.memory_space<vmem>> -> memref<1x2x48xi32, #tpu.memory_space<vmem>>
    %dma_start3A_43 = tpu.memref_squeeze %dma_start3A_42 : memref<1x2x48xi32, #tpu.memory_space<vmem>> -> memref<2x48xi32, #tpu.memory_space<vmem>>
    %dma_start3A_44 = arith.constant 0 : i32
    %dma_start3A_45 = arith.constant 0 : i32
    %dma_start3A_46 = tpu.memref_slice %arg3[%arg0, %arg1, %dma_start3A_38, %dma_start3A_44, %dma_start3A_45] : memref<2x16x209x2x48xi32, #tpu.memory_space<hbm>> -> memref<1x1x1x2x48xi32, #tpu.memory_space<hbm>>
    %dma_start3A_47 = tpu.memref_squeeze %dma_start3A_46 : memref<1x1x1x2x48xi32, #tpu.memory_space<hbm>> -> memref<2x48xi32, #tpu.memory_space<hbm>>
    %dma_start3A_48 = arith.constant 0 : i32
    %dma_start3A_49 = arith.constant 0 : i32
    %dma_start3A_50 = tpu.memref_slice %arg8[%dma_start3A_39, %dma_start3A_48, %dma_start3A_49] : memref<7x2x48xi32, #tpu.memory_space<vmem>> -> memref<1x2x48xi32, #tpu.memory_space<vmem>>
    %dma_start3A_51 = tpu.memref_squeeze %dma_start3A_50 : memref<1x2x48xi32, #tpu.memory_space<vmem>> -> memref<2x48xi32, #tpu.memory_space<vmem>>
    %dma_start3A_52 = arith.constant 0 : i32
    %dma_start3A_53 = arith.constant 0 : i32
    %dma_start3A_54 = tpu.memref_slice %arg3[%arg0, %arg1, %dma_start3A_38, %dma_start3A_52, %dma_start3A_53] : memref<2x16x209x2x48xi32, #tpu.memory_space<hbm>> -> memref<1x1x1x2x48xi32, #tpu.memory_space<hbm>>
    %dma_start3A_55 = tpu.memref_squeeze %dma_start3A_54 : memref<1x1x1x2x48xi32, #tpu.memory_space<hbm>> -> memref<2x48xi32, #tpu.memory_space<hbm>>
    tpu.enqueue_dma source(%dma_start3A_55 : memref<2x48xi32, #tpu.memory_space<hbm>>) target(%dma_start3A_51 : memref<2x48xi32, #tpu.memory_space<vmem>>) target_semaphore(%arg14 : memref<!tpu.dma_semaphore, #tpu.memory_space<semaphore_mem>>)
    %dma_start3A_56 = arith.constant 3 : i32
    %dma_start3A_57 = arith.constant 3 : i32
    %dma_start3A_58 = arith.constant 0 : i32
    %dma_start3A_59 = arith.constant 0 : i32
    %dma_start3A_60 = tpu.memref_slice %arg8[%dma_start3A_57, %dma_start3A_58, %dma_start3A_59] : memref<7x2x48xi32, #tpu.memory_space<vmem>> -> memref<1x2x48xi32, #tpu.memory_space<vmem>>
    %dma_start3A_61 = tpu.memref_squeeze %dma_start3A_60 : memref<1x2x48xi32, #tpu.memory_space<vmem>> -> memref<2x48xi32, #tpu.memory_space<vmem>>
    %dma_start3A_62 = arith.constant 0 : i32
    %dma_start3A_63 = arith.constant 0 : i32
    %dma_start3A_64 = tpu.memref_slice %arg3[%arg0, %arg1, %dma_start3A_56, %dma_start3A_62, %dma_start3A_63] : memref<2x16x209x2x48xi32, #tpu.memory_space<hbm>> -> memref<1x1x1x2x48xi32, #tpu.memory_space<hbm>>
    %dma_start3A_65 = tpu.memref_squeeze %dma_start3A_64 : memref<1x1x1x2x48xi32, #tpu.memory_space<hbm>> -> memref<2x48xi32, #tpu.memory_space<hbm>>
    %dma_start3A_66 = arith.constant 0 : i32
    %dma_start3A_67 = arith.constant 0 : i32
    %dma_start3A_68 = tpu.memref_slice %arg8[%dma_start3A_57, %dma_start3A_66, %dma_start3A_67] : memref<7x2x48xi32, #tpu.memory_space<vmem>> -> memref<1x2x48xi32, #tpu.memory_space<vmem>>
    %dma_start3A_69 = tpu.memref_squeeze %dma_start3A_68 : memref<1x2x48xi32, #tpu.memory_space<vmem>> -> memref<2x48xi32, #tpu.memory_space<vmem>>
    %dma_start3A_70 = arith.constant 0 : i32
    %dma_start3A_71 = arith.constant 0 : i32
    %dma_start3A_72 = tpu.memref_slice %arg3[%arg0, %arg1, %dma_start3A_56, %dma_start3A_70, %dma_start3A_71] : memref<2x16x209x2x48xi32, #tpu.memory_space<hbm>> -> memref<1x1x1x2x48xi32, #tpu.memory_space<hbm>>
    %dma_start3A_73 = tpu.memref_squeeze %dma_start3A_72 : memref<1x1x1x2x48xi32, #tpu.memory_space<hbm>> -> memref<2x48xi32, #tpu.memory_space<hbm>>
    tpu.enqueue_dma source(%dma_start3A_73 : memref<2x48xi32, #tpu.memory_space<hbm>>) target(%dma_start3A_69 : memref<2x48xi32, #tpu.memory_space<vmem>>) target_semaphore(%arg14 : memref<!tpu.dma_semaphore, #tpu.memory_space<semaphore_mem>>)
    %dma_start3A_74 = arith.constant 4 : i32
    %dma_start3A_75 = arith.constant 4 : i32
    %dma_start3A_76 = arith.constant 0 : i32
    %dma_start3A_77 = arith.constant 0 : i32
    %dma_start3A_78 = tpu.memref_slice %arg8[%dma_start3A_75, %dma_start3A_76, %dma_start3A_77] : memref<7x2x48xi32, #tpu.memory_space<vmem>> -> memref<1x2x48xi32, #tpu.memory_space<vmem>>
    %dma_start3A_79 = tpu.memref_squeeze %dma_start3A_78 : memref<1x2x48xi32, #tpu.memory_space<vmem>> -> memref<2x48xi32, #tpu.memory_space<vmem>>
    %dma_start3A_80 = arith.constant 0 : i32
    %dma_start3A_81 = arith.constant 0 : i32
    %dma_start3A_82 = tpu.memref_slice %arg3[%arg0, %arg1, %dma_start3A_74, %dma_start3A_80, %dma_start3A_81] : memref<2x16x209x2x48xi32, #tpu.memory_space<hbm>> -> memref<1x1x1x2x48xi32, #tpu.memory_space<hbm>>
    %dma_start3A_83 = tpu.memref_squeeze %dma_start3A_82 : memref<1x1x1x2x48xi32, #tpu.memory_space<hbm>> -> memref<2x48xi32, #tpu.memory_space<hbm>>
    %dma_start3A_84 = arith.constant 0 : i32
    %dma_start3A_85 = arith.constant 0 : i32
    %dma_start3A_86 = tpu.memref_slice %arg8[%dma_start3A_75, %dma_start3A_84, %dma_start3A_85] : memref<7x2x48xi32, #tpu.memory_space<vmem>> -> memref<1x2x48xi32, #tpu.memory_space<vmem>>
    %dma_start3A_87 = tpu.memref_squeeze %dma_start3A_86 : memref<1x2x48xi32, #tpu.memory_space<vmem>> -> memref<2x48xi32, #tpu.memory_space<vmem>>
    %dma_start3A_88 = arith.constant 0 : i32
    %dma_start3A_89 = arith.constant 0 : i32
    %dma_start3A_90 = tpu.memref_slice %arg3[%arg0, %arg1, %dma_start3A_74, %dma_start3A_88, %dma_start3A_89] : memref<2x16x209x2x48xi32, #tpu.memory_space<hbm>> -> memref<1x1x1x2x48xi32, #tpu.memory_space<hbm>>
    %dma_start3A_91 = tpu.memref_squeeze %dma_start3A_90 : memref<1x1x1x2x48xi32, #tpu.memory_space<hbm>> -> memref<2x48xi32, #tpu.memory_space<hbm>>
    tpu.enqueue_dma source(%dma_start3A_91 : memref<2x48xi32, #tpu.memory_space<hbm>>) target(%dma_start3A_87 : memref<2x48xi32, #tpu.memory_space<vmem>>) target_semaphore(%arg14 : memref<!tpu.dma_semaphore, #tpu.memory_space<semaphore_mem>>)
    %dma_wait3A = arith.constant 0 : i32
    %dma_wait3A_92 = arith.constant 0 : i32
    %dma_wait3A_93 = arith.constant 0 : i32
    %dma_wait3A_94 = arith.constant 0 : i32
    %dma_wait3A_95 = tpu.memref_slice %arg8[%dma_wait3A_92, %dma_wait3A_93, %dma_wait3A_94] : memref<7x2x48xi32, #tpu.memory_space<vmem>> -> memref<1x2x48xi32, #tpu.memory_space<vmem>>
    %dma_wait3A_96 = tpu.memref_squeeze %dma_wait3A_95 : memref<1x2x48xi32, #tpu.memory_space<vmem>> -> memref<2x48xi32, #tpu.memory_space<vmem>>
    %dma_wait3A_97 = arith.constant 0 : i32
    %dma_wait3A_98 = arith.constant 0 : i32
    %dma_wait3A_99 = tpu.memref_slice %arg3[%arg0, %arg1, %dma_wait3A, %dma_wait3A_97, %dma_wait3A_98] : memref<2x16x209x2x48xi32, #tpu.memory_space<hbm>> -> memref<1x1x1x2x48xi32, #tpu.memory_space<hbm>>
    %dma_wait3A_100 = tpu.memref_squeeze %dma_wait3A_99 : memref<1x1x1x2x48xi32, #tpu.memory_space<hbm>> -> memref<2x48xi32, #tpu.memory_space<hbm>>
    %dma_wait3A_101 = arith.constant 0 : i32
    %dma_wait3A_102 = arith.constant 0 : i32
    %dma_wait3A_103 = tpu.memref_slice %arg8[%dma_wait3A_92, %dma_wait3A_101, %dma_wait3A_102] : memref<7x2x48xi32, #tpu.memory_space<vmem>> -> memref<1x2x48xi32, #tpu.memory_space<vmem>>
    %dma_wait3A_104 = tpu.memref_squeeze %dma_wait3A_103 : memref<1x2x48xi32, #tpu.memory_space<vmem>> -> memref<2x48xi32, #tpu.memory_space<vmem>>
    %dma_wait3A_105 = arith.constant 0 : i32
    %dma_wait3A_106 = arith.constant 0 : i32
    %dma_wait3A_107 = tpu.memref_slice %arg3[%arg0, %arg1, %dma_wait3A, %dma_wait3A_105, %dma_wait3A_106] : memref<2x16x209x2x48xi32, #tpu.memory_space<hbm>> -> memref<1x1x1x2x48xi32, #tpu.memory_space<hbm>>
    %dma_wait3A_108 = tpu.memref_squeeze %dma_wait3A_107 : memref<1x1x1x2x48xi32, #tpu.memory_space<hbm>> -> memref<2x48xi32, #tpu.memory_space<hbm>>
    tpu.wait_dma2 semaphore(%arg14 : memref<!tpu.dma_semaphore, #tpu.memory_space<semaphore_mem>>) src(%dma_wait3A_108 : memref<2x48xi32, #tpu.memory_space<hbm>>) dst(%dma_wait3A_104 : memref<2x48xi32, #tpu.memory_space<vmem>>)
    %dma_start3A_109 = arith.constant 0 : i32
    %dma_start3A_110 = arith.constant 1 : i32
    %dma_start3A_111 = arith.constant 0 : i32
    %dma_start3A_112 = arith.constant 0 : i32
    %dma_start3A_113 = arith.constant 0 : i32
    %dma_start3A_114 = tpu.memref_slice %arg9[%dma_start3A_111, %dma_start3A_112, %dma_start3A_113] : memref<6x48x128xf32, #tpu.memory_space<vmem>> -> memref<1x48x128xf32, #tpu.memory_space<vmem>>
    %dma_start3A_115 = tpu.memref_squeeze %dma_start3A_114 : memref<1x48x128xf32, #tpu.memory_space<vmem>> -> memref<48x128xf32, #tpu.memory_space<vmem>>
    %dma_start3A_116 = arith.constant 0 : i32
    %dma_start3A_117 = tpu.memref_slice %arg8[%dma_start3A_109, %dma_start3A_110, %dma_start3A_116] : memref<7x2x48xi32, #tpu.memory_space<vmem>> -> memref<1x1x48xi32, #tpu.memory_space<vmem>>
    %dma_start3A_118 = tpu.memref_squeeze %dma_start3A_117 : memref<1x1x48xi32, #tpu.memory_space<vmem>> -> memref<48xi32, #tpu.memory_space<vmem>>
    %dma_start3A_119 = arith.constant 0 : i32
    %dma_start3A_120 = arith.constant 0 : i32
    %dma_start3A_121 = tpu.memref_slice %arg2[%dma_start3A_119, %dma_start3A_120] : memref<10112x128xf32, #tpu.memory_space<hbm>> -> memref<10112x128xf32, #tpu.memory_space<hbm>>
    tpu.enqueue_indirect_dma source(%dma_start3A_121 : memref<10112x128xf32, #tpu.memory_space<hbm>>) target(%dma_start3A_115 : memref<48x128xf32, #tpu.memory_space<vmem>>) offsets(%dma_start3A_118 : memref<48xi32, #tpu.memory_space<vmem>>) semaphore(%arg15 : memref<!tpu.dma_semaphore, #tpu.memory_space<semaphore_mem>>)
    %dma_wait3A_122 = arith.constant 1 : i32
    %dma_wait3A_123 = arith.constant 1 : i32
    %dma_wait3A_124 = arith.constant 0 : i32
    %dma_wait3A_125 = arith.constant 0 : i32
    %dma_wait3A_126 = tpu.memref_slice %arg8[%dma_wait3A_123, %dma_wait3A_124, %dma_wait3A_125] : memref<7x2x48xi32, #tpu.memory_space<vmem>> -> memref<1x2x48xi32, #tpu.memory_space<vmem>>
    %dma_wait3A_127 = tpu.memref_squeeze %dma_wait3A_126 : memref<1x2x48xi32, #tpu.memory_space<vmem>> -> memref<2x48xi32, #tpu.memory_space<vmem>>
    %dma_wait3A_128 = arith.constant 0 : i32
    %dma_wait3A_129 = arith.constant 0 : i32
    %dma_wait3A_130 = tpu.memref_slice %arg3[%arg0, %arg1, %dma_wait3A_122, %dma_wait3A_128, %dma_wait3A_129] : memref<2x16x209x2x48xi32, #tpu.memory_space<hbm>> -> memref<1x1x1x2x48xi32, #tpu.memory_space<hbm>>
    %dma_wait3A_131 = tpu.memref_squeeze %dma_wait3A_130 : memref<1x1x1x2x48xi32, #tpu.memory_space<hbm>> -> memref<2x48xi32, #tpu.memory_space<hbm>>
    %dma_wait3A_132 = arith.constant 0 : i32
    %dma_wait3A_133 = arith.constant 0 : i32
    %dma_wait3A_134 = tpu.memref_slice %arg8[%dma_wait3A_123, %dma_wait3A_132, %dma_wait3A_133] : memref<7x2x48xi32, #tpu.memory_space<vmem>> -> memref<1x2x48xi32, #tpu.memory_space<vmem>>
    %dma_wait3A_135 = tpu.memref_squeeze %dma_wait3A_134 : memref<1x2x48xi32, #tpu.memory_space<vmem>> -> memref<2x48xi32, #tpu.memory_space<vmem>>
    %dma_wait3A_136 = arith.constant 0 : i32
    %dma_wait3A_137 = arith.constant 0 : i32
    %dma_wait3A_138 = tpu.memref_slice %arg3[%arg0, %arg1, %dma_wait3A_122, %dma_wait3A_136, %dma_wait3A_137] : memref<2x16x209x2x48xi32, #tpu.memory_space<hbm>> -> memref<1x1x1x2x48xi32, #tpu.memory_space<hbm>>
    %dma_wait3A_139 = tpu.memref_squeeze %dma_wait3A_138 : memref<1x1x1x2x48xi32, #tpu.memory_space<hbm>> -> memref<2x48xi32, #tpu.memory_space<hbm>>
    tpu.wait_dma2 semaphore(%arg14 : memref<!tpu.dma_semaphore, #tpu.memory_space<semaphore_mem>>) src(%dma_wait3A_139 : memref<2x48xi32, #tpu.memory_space<hbm>>) dst(%dma_wait3A_135 : memref<2x48xi32, #tpu.memory_space<vmem>>)
    %dma_start3A_140 = arith.constant 1 : i32
    %dma_start3A_141 = arith.constant 1 : i32
    %dma_start3A_142 = arith.constant 1 : i32
    %dma_start3A_143 = arith.constant 0 : i32
    %dma_start3A_144 = arith.constant 0 : i32
    %dma_start3A_145 = tpu.memref_slice %arg9[%dma_start3A_142, %dma_start3A_143, %dma_start3A_144] : memref<6x48x128xf32, #tpu.memory_space<vmem>> -> memref<1x48x128xf32, #tpu.memory_space<vmem>>
    %dma_start3A_146 = tpu.memref_squeeze %dma_start3A_145 : memref<1x48x128xf32, #tpu.memory_space<vmem>> -> memref<48x128xf32, #tpu.memory_space<vmem>>
    %dma_start3A_147 = arith.constant 0 : i32
    %dma_start3A_148 = tpu.memref_slice %arg8[%dma_start3A_140, %dma_start3A_141, %dma_start3A_147] : memref<7x2x48xi32, #tpu.memory_space<vmem>> -> memref<1x1x48xi32, #tpu.memory_space<vmem>>
    %dma_start3A_149 = tpu.memref_squeeze %dma_start3A_148 : memref<1x1x48xi32, #tpu.memory_space<vmem>> -> memref<48xi32, #tpu.memory_space<vmem>>
    %dma_start3A_150 = arith.constant 0 : i32
    %dma_start3A_151 = arith.constant 0 : i32
    %dma_start3A_152 = tpu.memref_slice %arg2[%dma_start3A_150, %dma_start3A_151] : memref<10112x128xf32, #tpu.memory_space<hbm>> -> memref<10112x128xf32, #tpu.memory_space<hbm>>
    tpu.enqueue_indirect_dma source(%dma_start3A_152 : memref<10112x128xf32, #tpu.memory_space<hbm>>) target(%dma_start3A_146 : memref<48x128xf32, #tpu.memory_space<vmem>>) offsets(%dma_start3A_149 : memref<48xi32, #tpu.memory_space<vmem>>) semaphore(%arg15 : memref<!tpu.dma_semaphore, #tpu.memory_space<semaphore_mem>>)
    %dma_wait3A_153 = arith.constant 2 : i32
    %dma_wait3A_154 = arith.constant 2 : i32
    %dma_wait3A_155 = arith.constant 0 : i32
    %dma_wait3A_156 = arith.constant 0 : i32
    %dma_wait3A_157 = tpu.memref_slice %arg8[%dma_wait3A_154, %dma_wait3A_155, %dma_wait3A_156] : memref<7x2x48xi32, #tpu.memory_space<vmem>> -> memref<1x2x48xi32, #tpu.memory_space<vmem>>
    %dma_wait3A_158 = tpu.memref_squeeze %dma_wait3A_157 : memref<1x2x48xi32, #tpu.memory_space<vmem>> -> memref<2x48xi32, #tpu.memory_space<vmem>>
    %dma_wait3A_159 = arith.constant 0 : i32
    %dma_wait3A_160 = arith.constant 0 : i32
    %dma_wait3A_161 = tpu.memref_slice %arg3[%arg0, %arg1, %dma_wait3A_153, %dma_wait3A_159, %dma_wait3A_160] : memref<2x16x209x2x48xi32, #tpu.memory_space<hbm>> -> memref<1x1x1x2x48xi32, #tpu.memory_space<hbm>>
    %dma_wait3A_162 = tpu.memref_squeeze %dma_wait3A_161 : memref<1x1x1x2x48xi32, #tpu.memory_space<hbm>> -> memref<2x48xi32, #tpu.memory_space<hbm>>
    %dma_wait3A_163 = arith.constant 0 : i32
    %dma_wait3A_164 = arith.constant 0 : i32
    %dma_wait3A_165 = tpu.memref_slice %arg8[%dma_wait3A_154, %dma_wait3A_163, %dma_wait3A_164] : memref<7x2x48xi32, #tpu.memory_space<vmem>> -> memref<1x2x48xi32, #tpu.memory_space<vmem>>
    %dma_wait3A_166 = tpu.memref_squeeze %dma_wait3A_165 : memref<1x2x48xi32, #tpu.memory_space<vmem>> -> memref<2x48xi32, #tpu.memory_space<vmem>>
    %dma_wait3A_167 = arith.constant 0 : i32
    %dma_wait3A_168 = arith.constant 0 : i32
    %dma_wait3A_169 = tpu.memref_slice %arg3[%arg0, %arg1, %dma_wait3A_153, %dma_wait3A_167, %dma_wait3A_168] : memref<2x16x209x2x48xi32, #tpu.memory_space<hbm>> -> memref<1x1x1x2x48xi32, #tpu.memory_space<hbm>>
    %dma_wait3A_170 = tpu.memref_squeeze %dma_wait3A_169 : memref<1x1x1x2x48xi32, #tpu.memory_space<hbm>> -> memref<2x48xi32, #tpu.memory_space<hbm>>
    tpu.wait_dma2 semaphore(%arg14 : memref<!tpu.dma_semaphore, #tpu.memory_space<semaphore_mem>>) src(%dma_wait3A_170 : memref<2x48xi32, #tpu.memory_space<hbm>>) dst(%dma_wait3A_166 : memref<2x48xi32, #tpu.memory_space<vmem>>)
    %dma_start3A_171 = arith.constant 2 : i32
    %dma_start3A_172 = arith.constant 1 : i32
    %dma_start3A_173 = arith.constant 2 : i32
    %dma_start3A_174 = arith.constant 0 : i32
    %dma_start3A_175 = arith.constant 0 : i32
    %dma_start3A_176 = tpu.memref_slice %arg9[%dma_start3A_173, %dma_start3A_174, %dma_start3A_175] : memref<6x48x128xf32, #tpu.memory_space<vmem>> -> memref<1x48x128xf32, #tpu.memory_space<vmem>>
    %dma_start3A_177 = tpu.memref_squeeze %dma_start3A_176 : memref<1x48x128xf32, #tpu.memory_space<vmem>> -> memref<48x128xf32, #tpu.memory_space<vmem>>
    %dma_start3A_178 = arith.constant 0 : i32
    %dma_start3A_179 = tpu.memref_slice %arg8[%dma_start3A_171, %dma_start3A_172, %dma_start3A_178] : memref<7x2x48xi32, #tpu.memory_space<vmem>> -> memref<1x1x48xi32, #tpu.memory_space<vmem>>
    %dma_start3A_180 = tpu.memref_squeeze %dma_start3A_179 : memref<1x1x48xi32, #tpu.memory_space<vmem>> -> memref<48xi32, #tpu.memory_space<vmem>>
    %dma_start3A_181 = arith.constant 0 : i32
    %dma_start3A_182 = arith.constant 0 : i32
    %dma_start3A_183 = tpu.memref_slice %arg2[%dma_start3A_181, %dma_start3A_182] : memref<10112x128xf32, #tpu.memory_space<hbm>> -> memref<10112x128xf32, #tpu.memory_space<hbm>>
    tpu.enqueue_indirect_dma source(%dma_start3A_183 : memref<10112x128xf32, #tpu.memory_space<hbm>>) target(%dma_start3A_177 : memref<48x128xf32, #tpu.memory_space<vmem>>) offsets(%dma_start3A_180 : memref<48xi32, #tpu.memory_space<vmem>>) semaphore(%arg15 : memref<!tpu.dma_semaphore, #tpu.memory_space<semaphore_mem>>)
    %dma_wait3A_184 = arith.constant 3 : i32
    %dma_wait3A_185 = arith.constant 3 : i32
    %dma_wait3A_186 = arith.constant 0 : i32
    %dma_wait3A_187 = arith.constant 0 : i32
    %dma_wait3A_188 = tpu.memref_slice %arg8[%dma_wait3A_185, %dma_wait3A_186, %dma_wait3A_187] : memref<7x2x48xi32, #tpu.memory_space<vmem>> -> memref<1x2x48xi32, #tpu.memory_space<vmem>>
    %dma_wait3A_189 = tpu.memref_squeeze %dma_wait3A_188 : memref<1x2x48xi32, #tpu.memory_space<vmem>> -> memref<2x48xi32, #tpu.memory_space<vmem>>
    %dma_wait3A_190 = arith.constant 0 : i32
    %dma_wait3A_191 = arith.constant 0 : i32
    %dma_wait3A_192 = tpu.memref_slice %arg3[%arg0, %arg1, %dma_wait3A_184, %dma_wait3A_190, %dma_wait3A_191] : memref<2x16x209x2x48xi32, #tpu.memory_space<hbm>> -> memref<1x1x1x2x48xi32, #tpu.memory_space<hbm>>
    %dma_wait3A_193 = tpu.memref_squeeze %dma_wait3A_192 : memref<1x1x1x2x48xi32, #tpu.memory_space<hbm>> -> memref<2x48xi32, #tpu.memory_space<hbm>>
    %dma_wait3A_194 = arith.constant 0 : i32
    %dma_wait3A_195 = arith.constant 0 : i32
    %dma_wait3A_196 = tpu.memref_slice %arg8[%dma_wait3A_185, %dma_wait3A_194, %dma_wait3A_195] : memref<7x2x48xi32, #tpu.memory_space<vmem>> -> memref<1x2x48xi32, #tpu.memory_space<vmem>>
    %dma_wait3A_197 = tpu.memref_squeeze %dma_wait3A_196 : memref<1x2x48xi32, #tpu.memory_space<vmem>> -> memref<2x48xi32, #tpu.memory_space<vmem>>
    %dma_wait3A_198 = arith.constant 0 : i32
    %dma_wait3A_199 = arith.constant 0 : i32
    %dma_wait3A_200 = tpu.memref_slice %arg3[%arg0, %arg1, %dma_wait3A_184, %dma_wait3A_198, %dma_wait3A_199] : memref<2x16x209x2x48xi32, #tpu.memory_space<hbm>> -> memref<1x1x1x2x48xi32, #tpu.memory_space<hbm>>
    %dma_wait3A_201 = tpu.memref_squeeze %dma_wait3A_200 : memref<1x1x1x2x48xi32, #tpu.memory_space<hbm>> -> memref<2x48xi32, #tpu.memory_space<hbm>>
    tpu.wait_dma2 semaphore(%arg14 : memref<!tpu.dma_semaphore, #tpu.memory_space<semaphore_mem>>) src(%dma_wait3A_201 : memref<2x48xi32, #tpu.memory_space<hbm>>) dst(%dma_wait3A_197 : memref<2x48xi32, #tpu.memory_space<vmem>>)
    %dma_start3A_202 = arith.constant 3 : i32
    %dma_start3A_203 = arith.constant 1 : i32
    %dma_start3A_204 = arith.constant 3 : i32
    %dma_start3A_205 = arith.constant 0 : i32
    %dma_start3A_206 = arith.constant 0 : i32
    %dma_start3A_207 = tpu.memref_slice %arg9[%dma_start3A_204, %dma_start3A_205, %dma_start3A_206] : memref<6x48x128xf32, #tpu.memory_space<vmem>> -> memref<1x48x128xf32, #tpu.memory_space<vmem>>
    %dma_start3A_208 = tpu.memref_squeeze %dma_start3A_207 : memref<1x48x128xf32, #tpu.memory_space<vmem>> -> memref<48x128xf32, #tpu.memory_space<vmem>>
    %dma_start3A_209 = arith.constant 0 : i32
    %dma_start3A_210 = tpu.memref_slice %arg8[%dma_start3A_202, %dma_start3A_203, %dma_start3A_209] : memref<7x2x48xi32, #tpu.memory_space<vmem>> -> memref<1x1x48xi32, #tpu.memory_space<vmem>>
    %dma_start3A_211 = tpu.memref_squeeze %dma_start3A_210 : memref<1x1x48xi32, #tpu.memory_space<vmem>> -> memref<48xi32, #tpu.memory_space<vmem>>
    %dma_start3A_212 = arith.constant 0 : i32
    %dma_start3A_213 = arith.constant 0 : i32
    %dma_start3A_214 = tpu.memref_slice %arg2[%dma_start3A_212, %dma_start3A_213] : memref<10112x128xf32, #tpu.memory_space<hbm>> -> memref<10112x128xf32, #tpu.memory_space<hbm>>
    tpu.enqueue_indirect_dma source(%dma_start3A_214 : memref<10112x128xf32, #tpu.memory_space<hbm>>) target(%dma_start3A_208 : memref<48x128xf32, #tpu.memory_space<vmem>>) offsets(%dma_start3A_211 : memref<48xi32, #tpu.memory_space<vmem>>) semaphore(%arg15 : memref<!tpu.dma_semaphore, #tpu.memory_space<semaphore_mem>>)
    %scan3A = arith.constant 0 : i32
    %scan3A_215 = arith.constant 0 : i32
    %scan3A_216 = arith.constant 209 : i32
    %scan3A_217 = arith.addi %scan3A_215, %scan3A_216 : i32
    %scan3A_218 = arith.constant 1 : i32
    scf.for %scan3A_252 = %scan3A_215 to %scan3A_217 step %scan3A_218  : i32 {
      %rem3A = arith.constant 6 : i32
      %rem3A_253 = arith.remsi %scan3A_252, %rem3A : i32
      %rem3A_254 = arith.constant 7 : i32
      %rem3A_255 = arith.remsi %scan3A_252, %rem3A_254 : i32
      %dma_wait3A_256 = arith.constant 1 : i32
      %dma_wait3A_257 = arith.constant 0 : i32
      %dma_wait3A_258 = arith.constant 0 : i32
      %dma_wait3A_259 = tpu.memref_slice %arg9[%rem3A_253, %dma_wait3A_257, %dma_wait3A_258] : memref<6x48x128xf32, #tpu.memory_space<vmem>> -> memref<1x48x128xf32, #tpu.memory_space<vmem>>
      %dma_wait3A_260 = tpu.memref_squeeze %dma_wait3A_259 : memref<1x48x128xf32, #tpu.memory_space<vmem>> -> memref<48x128xf32, #tpu.memory_space<vmem>>
      %dma_wait3A_261 = arith.constant 0 : i32
      %dma_wait3A_262 = tpu.memref_slice %arg8[%rem3A_255, %dma_wait3A_256, %dma_wait3A_261] : memref<7x2x48xi32, #tpu.memory_space<vmem>> -> memref<1x1x48xi32, #tpu.memory_space<vmem>>
      %dma_wait3A_263 = tpu.memref_squeeze %dma_wait3A_262 : memref<1x1x48xi32, #tpu.memory_space<vmem>> -> memref<48xi32, #tpu.memory_space<vmem>>
      %dma_wait3A_264 = arith.constant 0 : i32
      %dma_wait3A_265 = arith.constant 0 : i32
      %dma_wait3A_266 = tpu.memref_slice %arg2[%dma_wait3A_264, %dma_wait3A_265] : memref<10112x128xf32, #tpu.memory_space<hbm>> -> memref<10112x128xf32, #tpu.memory_space<hbm>>
      tpu.wait_indirect_dma semaphore(%arg15 : memref<!tpu.dma_semaphore, #tpu.memory_space<semaphore_mem>>) src(%dma_wait3A_266 : memref<10112x128xf32, #tpu.memory_space<hbm>>) dst(%dma_wait3A_260 : memref<48x128xf32, #tpu.memory_space<vmem>>)
      %dma_start3A_267 = arith.constant 0 : i32
      %dma_start3A_268 = arith.constant 0 : i32
      %dma_start3A_269 = arith.constant 0 : i32
      %dma_start3A_270 = tpu.memref_slice %arg9[%rem3A_253, %dma_start3A_268, %dma_start3A_269] : memref<6x48x128xf32, #tpu.memory_space<vmem>> -> memref<1x48x128xf32, #tpu.memory_space<vmem>>
      %dma_start3A_271 = tpu.memref_squeeze %dma_start3A_270 : memref<1x48x128xf32, #tpu.memory_space<vmem>> -> memref<48x128xf32, #tpu.memory_space<vmem>>
      %dma_start3A_272 = arith.constant 0 : i32
      %dma_start3A_273 = tpu.memref_slice %arg8[%rem3A_255, %dma_start3A_267, %dma_start3A_272] : memref<7x2x48xi32, #tpu.memory_space<vmem>> -> memref<1x1x48xi32, #tpu.memory_space<vmem>>
      %dma_start3A_274 = tpu.memref_squeeze %dma_start3A_273 : memref<1x1x48xi32, #tpu.memory_space<vmem>> -> memref<48xi32, #tpu.memory_space<vmem>>
      %dma_start3A_275 = arith.constant 0 : i32
      %dma_start3A_276 = arith.constant 0 : i32
      %dma_start3A_277 = tpu.memref_slice %arg12[%dma_start3A_275, %dma_start3A_276] : memref<10112x128xf32, #tpu.memory_space<vmem_shared>> -> memref<10112x128xf32, #tpu.memory_space<vmem_shared>>
      tpu.enqueue_indirect_dma source(%dma_start3A_271 : memref<48x128xf32, #tpu.memory_space<vmem>>) target(%dma_start3A_277 : memref<10112x128xf32, #tpu.memory_space<vmem_shared>>) offsets(%dma_start3A_274 : memref<48xi32, #tpu.memory_space<vmem>>) semaphore(%arg16 : memref<!tpu.dma_semaphore, #tpu.memory_space<semaphore_mem>>) {add = true}
      %ge3A = arith.constant 2 : i32
      %ge3A_278 = arith.cmpi sge, %scan3A_252, %ge3A : i32
      %convert_element_type3A_279 = arith.extui %ge3A_278 : i1 to i32
      %cond3A_280 = arith.constant 0 : i32
      %cond3A_281 = arith.cmpi ne, %convert_element_type3A_279, %cond3A_280 : i32
      scf.if %cond3A_281 {
        %add3A_340 = arith.constant 6 : i32
        %add3A_341 = arith.addi %scan3A_252, %add3A_340 : i32
        %sub3A = arith.constant 2 : i32
        %sub3A_342 = arith.subi %add3A_341, %sub3A : i32
        %rem3A_343 = arith.constant 6 : i32
        %rem3A_344 = arith.remsi %sub3A_342, %rem3A_343 : i32
        %add3A_345 = arith.constant 7 : i32
        %add3A_346 = arith.addi %scan3A_252, %add3A_345 : i32
        %sub3A_347 = arith.constant 2 : i32
        %sub3A_348 = arith.subi %add3A_346, %sub3A_347 : i32
        %rem3A_349 = arith.constant 7 : i32
        %rem3A_350 = arith.remsi %sub3A_348, %rem3A_349 : i32
        %dma_wait3A_351 = arith.constant 0 : i32
        %dma_wait3A_352 = arith.constant 0 : i32
        %dma_wait3A_353 = arith.constant 0 : i32
        %dma_wait3A_354 = tpu.memref_slice %arg9[%rem3A_344, %dma_wait3A_352, %dma_wait3A_353] : memref<6x48x128xf32, #tpu.memory_space<vmem>> -> memref<1x48x128xf32, #tpu.memory_space<vmem>>
        %dma_wait3A_355 = tpu.memref_squeeze %dma_wait3A_354 : memref<1x48x128xf32, #tpu.memory_space<vmem>> -> memref<48x128xf32, #tpu.memory_space<vmem>>
        %dma_wait3A_356 = arith.constant 0 : i32
        %dma_wait3A_357 = tpu.memref_slice %arg8[%rem3A_350, %dma_wait3A_351, %dma_wait3A_356] : memref<7x2x48xi32, #tpu.memory_space<vmem>> -> memref<1x1x48xi32, #tpu.memory_space<vmem>>
        %dma_wait3A_358 = tpu.memref_squeeze %dma_wait3A_357 : memref<1x1x48xi32, #tpu.memory_space<vmem>> -> memref<48xi32, #tpu.memory_space<vmem>>
        %dma_wait3A_359 = arith.constant 0 : i32
        %dma_wait3A_360 = arith.constant 0 : i32
        %dma_wait3A_361 = tpu.memref_slice %arg12[%dma_wait3A_359, %dma_wait3A_360] : memref<10112x128xf32, #tpu.memory_space<vmem_shared>> -> memref<10112x128xf32, #tpu.memory_space<vmem_shared>>
        tpu.wait_indirect_dma semaphore(%arg16 : memref<!tpu.dma_semaphore, #tpu.memory_space<semaphore_mem>>) src(%dma_wait3A_355 : memref<48x128xf32, #tpu.memory_space<vmem>>) dst(%dma_wait3A_361 : memref<10112x128xf32, #tpu.memory_space<vmem_shared>>)
      } else {
      }
      %add3A = arith.constant 4 : i32
      %add3A_282 = arith.addi %scan3A_252, %add3A : i32
      %add3A_283 = arith.constant 1 : i32
      %add3A_284 = arith.addi %add3A_282, %add3A_283 : i32
      %lt3A_285 = arith.constant 209 : i32
      %lt3A_286 = arith.cmpi slt, %add3A_284, %lt3A_285 : i32
      %convert_element_type3A_287 = arith.extui %lt3A_286 : i1 to i32
      %cond3A_288 = arith.constant 0 : i32
      %cond3A_289 = arith.cmpi ne, %convert_element_type3A_287, %cond3A_288 : i32
      scf.if %cond3A_289 {
        %add3A_340 = arith.constant 4 : i32
        %add3A_341 = arith.addi %scan3A_252, %add3A_340 : i32
        %add3A_342 = arith.constant 1 : i32
        %add3A_343 = arith.addi %add3A_341, %add3A_342 : i32
        %rem3A_344 = arith.constant 7 : i32
        %rem3A_345 = arith.remsi %add3A_343, %rem3A_344 : i32
        %add3A_346 = arith.constant 4 : i32
        %add3A_347 = arith.addi %scan3A_252, %add3A_346 : i32
        %add3A_348 = arith.constant 1 : i32
        %add3A_349 = arith.addi %add3A_347, %add3A_348 : i32
        %dma_start3A_350 = arith.constant 0 : i32
        %dma_start3A_351 = arith.constant 0 : i32
        %dma_start3A_352 = tpu.memref_slice %arg8[%rem3A_345, %dma_start3A_350, %dma_start3A_351] : memref<7x2x48xi32, #tpu.memory_space<vmem>> -> memref<1x2x48xi32, #tpu.memory_space<vmem>>
        %dma_start3A_353 = tpu.memref_squeeze %dma_start3A_352 : memref<1x2x48xi32, #tpu.memory_space<vmem>> -> memref<2x48xi32, #tpu.memory_space<vmem>>
        %dma_start3A_354 = arith.constant 0 : i32
        %dma_start3A_355 = arith.constant 0 : i32
        %dma_start3A_356 = tpu.memref_slice %arg3[%arg0, %arg1, %add3A_349, %dma_start3A_354, %dma_start3A_355] : memref<2x16x209x2x48xi32, #tpu.memory_space<hbm>> -> memref<1x1x1x2x48xi32, #tpu.memory_space<hbm>>
        %dma_start3A_357 = tpu.memref_squeeze %dma_start3A_356 : memref<1x1x1x2x48xi32, #tpu.memory_space<hbm>> -> memref<2x48xi32, #tpu.memory_space<hbm>>
        %dma_start3A_358 = arith.constant 0 : i32
        %dma_start3A_359 = arith.constant 0 : i32
        %dma_start3A_360 = tpu.memref_slice %arg8[%rem3A_345, %dma_start3A_358, %dma_start3A_359] : memref<7x2x48xi32, #tpu.memory_space<vmem>> -> memref<1x2x48xi32, #tpu.memory_space<vmem>>
        %dma_start3A_361 = tpu.memref_squeeze %dma_start3A_360 : memref<1x2x48xi32, #tpu.memory_space<vmem>> -> memref<2x48xi32, #tpu.memory_space<vmem>>
        %dma_start3A_362 = arith.constant 0 : i32
        %dma_start3A_363 = arith.constant 0 : i32
        %dma_start3A_364 = tpu.memref_slice %arg3[%arg0, %arg1, %add3A_349, %dma_start3A_362, %dma_start3A_363] : memref<2x16x209x2x48xi32, #tpu.memory_space<hbm>> -> memref<1x1x1x2x48xi32, #tpu.memory_space<hbm>>
        %dma_start3A_365 = tpu.memref_squeeze %dma_start3A_364 : memref<1x1x1x2x48xi32, #tpu.memory_space<hbm>> -> memref<2x48xi32, #tpu.memory_space<hbm>>
        tpu.enqueue_dma source(%dma_start3A_365 : memref<2x48xi32, #tpu.memory_space<hbm>>) target(%dma_start3A_361 : memref<2x48xi32, #tpu.memory_space<vmem>>) target_semaphore(%arg14 : memref<!tpu.dma_semaphore, #tpu.memory_space<semaphore_mem>>)
      } else {
      }
      %add3A_290 = arith.constant 4 : i32
      %add3A_291 = arith.addi %scan3A_252, %add3A_290 : i32
      %lt3A_292 = arith.constant 209 : i32
      %lt3A_293 = arith.cmpi slt, %add3A_291, %lt3A_292 : i32
      %convert_element_type3A_294 = arith.extui %lt3A_293 : i1 to i32
      %cond3A_295 = arith.constant 0 : i32
      %cond3A_296 = arith.cmpi ne, %convert_element_type3A_294, %cond3A_295 : i32
      scf.if %cond3A_296 {
        %add3A_340 = arith.constant 4 : i32
        %add3A_341 = arith.addi %scan3A_252, %add3A_340 : i32
        %rem3A_342 = arith.constant 6 : i32
        %rem3A_343 = arith.remsi %add3A_341, %rem3A_342 : i32
        %add3A_344 = arith.constant 4 : i32
        %add3A_345 = arith.addi %scan3A_252, %add3A_344 : i32
        %rem3A_346 = arith.constant 7 : i32
        %rem3A_347 = arith.remsi %add3A_345, %rem3A_346 : i32
        %add3A_348 = arith.constant 4 : i32
        %add3A_349 = arith.addi %scan3A_252, %add3A_348 : i32
        %dma_wait3A_350 = arith.constant 0 : i32
        %dma_wait3A_351 = arith.constant 0 : i32
        %dma_wait3A_352 = tpu.memref_slice %arg8[%rem3A_347, %dma_wait3A_350, %dma_wait3A_351] : memref<7x2x48xi32, #tpu.memory_space<vmem>> -> memref<1x2x48xi32, #tpu.memory_space<vmem>>
        %dma_wait3A_353 = tpu.memref_squeeze %dma_wait3A_352 : memref<1x2x48xi32, #tpu.memory_space<vmem>> -> memref<2x48xi32, #tpu.memory_space<vmem>>
        %dma_wait3A_354 = arith.constant 0 : i32
        %dma_wait3A_355 = arith.constant 0 : i32
        %dma_wait3A_356 = tpu.memref_slice %arg3[%arg0, %arg1, %add3A_349, %dma_wait3A_354, %dma_wait3A_355] : memref<2x16x209x2x48xi32, #tpu.memory_space<hbm>> -> memref<1x1x1x2x48xi32, #tpu.memory_space<hbm>>
        %dma_wait3A_357 = tpu.memref_squeeze %dma_wait3A_356 : memref<1x1x1x2x48xi32, #tpu.memory_space<hbm>> -> memref<2x48xi32, #tpu.memory_space<hbm>>
        %dma_wait3A_358 = arith.constant 0 : i32
        %dma_wait3A_359 = arith.constant 0 : i32
        %dma_wait3A_360 = tpu.memref_slice %arg8[%rem3A_347, %dma_wait3A_358, %dma_wait3A_359] : memref<7x2x48xi32, #tpu.memory_space<vmem>> -> memref<1x2x48xi32, #tpu.memory_space<vmem>>
        %dma_wait3A_361 = tpu.memref_squeeze %dma_wait3A_360 : memref<1x2x48xi32, #tpu.memory_space<vmem>> -> memref<2x48xi32, #tpu.memory_space<vmem>>
        %dma_wait3A_362 = arith.constant 0 : i32
        %dma_wait3A_363 = arith.constant 0 : i32
        %dma_wait3A_364 = tpu.memref_slice %arg3[%arg0, %arg1, %add3A_349, %dma_wait3A_362, %dma_wait3A_363] : memref<2x16x209x2x48xi32, #tpu.memory_space<hbm>> -> memref<1x1x1x2x48xi32, #tpu.memory_space<hbm>>
        %dma_wait3A_365 = tpu.memref_squeeze %dma_wait3A_364 : memref<1x1x1x2x48xi32, #tpu.memory_space<hbm>> -> memref<2x48xi32, #tpu.memory_space<hbm>>
        tpu.wait_dma2 semaphore(%arg14 : memref<!tpu.dma_semaphore, #tpu.memory_space<semaphore_mem>>) src(%dma_wait3A_365 : memref<2x48xi32, #tpu.memory_space<hbm>>) dst(%dma_wait3A_361 : memref<2x48xi32, #tpu.memory_space<vmem>>)
        %dma_start3A_366 = arith.constant 1 : i32
        %dma_start3A_367 = arith.constant 0 : i32
        %dma_start3A_368 = arith.constant 0 : i32
        %dma_start3A_369 = tpu.memref_slice %arg9[%rem3A_343, %dma_start3A_367, %dma_start3A_368] : memref<6x48x128xf32, #tpu.memory_space<vmem>> -> memref<1x48x128xf32, #tpu.memory_space<vmem>>
        %dma_start3A_370 = tpu.memref_squeeze %dma_start3A_369 : memref<1x48x128xf32, #tpu.memory_space<vmem>> -> memref<48x128xf32, #tpu.memory_space<vmem>>
        %dma_start3A_371 = arith.constant 0 : i32
        %dma_start3A_372 = tpu.memref_slice %arg8[%rem3A_347, %dma_start3A_366, %dma_start3A_371] : memref<7x2x48xi32, #tpu.memory_space<vmem>> -> memref<1x1x48xi32, #tpu.memory_space<vmem>>
        %dma_start3A_373 = tpu.memref_squeeze %dma_start3A_372 : memref<1x1x48xi32, #tpu.memory_space<vmem>> -> memref<48xi32, #tpu.memory_space<vmem>>
        %dma_start3A_374 = arith.constant 0 : i32
        %dma_start3A_375 = arith.constant 0 : i32
        %dma_start3A_376 = tpu.memref_slice %arg2[%dma_start3A_374, %dma_start3A_375] : memref<10112x128xf32, #tpu.memory_space<hbm>> -> memref<10112x128xf32, #tpu.memory_space<hbm>>
        tpu.enqueue_indirect_dma source(%dma_start3A_376 : memref<10112x128xf32, #tpu.memory_space<hbm>>) target(%dma_start3A_370 : memref<48x128xf32, #tpu.memory_space<vmem>>) offsets(%dma_start3A_373 : memref<48xi32, #tpu.memory_space<vmem>>) semaphore(%arg15 : memref<!tpu.dma_semaphore, #tpu.memory_space<semaphore_mem>>)
      } else {
      }
      %get3A = arith.constant 0 : i32
      %get3A_297 = arith.index_cast %rem3A_255 : i32 to index
      %get3A_298 = arith.index_cast %get3A : i32 to index
      %get3A_299 = arith.constant 0 : index
      %get3A_300 = tpu.vector_load %arg8[%get3A_297, %get3A_298, %get3A_299] {strides = array<i32>} : memref<7x2x48xi32, #tpu.memory_space<vmem>>, vector<16xi32>,
      %broadcast_in_dim3A = arith.constant true
      %broadcast_in_dim3A_301 = vector.broadcast %broadcast_in_dim3A : i1 to vector<16xi1>
      %unique3A, %unique3A_302 = tpu.scan_count mask(%broadcast_in_dim3A_301 : vector<16xi1>) value(%get3A_300 : vector<16xi32>) : vector<16xi1>, vector<16xi32>
      %shift_right_logical3A = arith.constant 7 : i32
      %shift_right_logical3A_303 = vector.broadcast %shift_right_logical3A : i32 to vector<16xi32>
      %shift_right_logical3A_304 = arith.shrui %get3A_300, %shift_right_logical3A_303 : vector<16xi32>
      %and3A = arith.constant 127 : i32
      %and3A_305 = vector.broadcast %and3A : i32 to vector<16xi32>
      %and3A_306 = arith.andi %get3A_300, %and3A_305 : vector<16xi32>
      %convert_element_type3A_307 = arith.sitofp %unique3A_302 : vector<16xi32> to vector<16xf32>
      tpu.vector_store_idx %arg10[%shift_right_logical3A_304, %and3A_306], %convert_element_type3A_307 masked %unique3A {add = true} : memref<80x128xf32, #tpu.memory_space<vmem>>[vector<16xi32>, vector<16xi32>], vector<16xf32>, vector<16xi1>
      %get3A_308 = arith.constant 0 : i32
      %get3A_309 = arith.index_cast %rem3A_255 : i32 to index
      %get3A_310 = arith.index_cast %get3A_308 : i32 to index
      %get3A_311 = arith.constant 16 : index
      %get3A_312 = tpu.vector_load %arg8[%get3A_309, %get3A_310, %get3A_311] {strides = array<i32>} : memref<7x2x48xi32, #tpu.memory_space<vmem>>, vector<16xi32>,
      %broadcast_in_dim3A_313 = arith.constant true
      %broadcast_in_dim3A_314 = vector.broadcast %broadcast_in_dim3A_313 : i1 to vector<16xi1>
      %unique3A_315, %unique3A_316 = tpu.scan_count mask(%broadcast_in_dim3A_314 : vector<16xi1>) value(%get3A_312 : vector<16xi32>) : vector<16xi1>, vector<16xi32>
      %shift_right_logical3A_317 = arith.constant 7 : i32
      %shift_right_logical3A_318 = vector.broadcast %shift_right_logical3A_317 : i32 to vector<16xi32>
      %shift_right_logical3A_319 = arith.shrui %get3A_312, %shift_right_logical3A_318 : vector<16xi32>
      %and3A_320 = arith.constant 127 : i32
      %and3A_321 = vector.broadcast %and3A_320 : i32 to vector<16xi32>
      %and3A_322 = arith.andi %get3A_312, %and3A_321 : vector<16xi32>
      %convert_element_type3A_323 = arith.sitofp %unique3A_316 : vector<16xi32> to vector<16xf32>
      tpu.vector_store_idx %arg10[%shift_right_logical3A_319, %and3A_322], %convert_element_type3A_323 masked %unique3A_315 {add = true} : memref<80x128xf32, #tpu.memory_space<vmem>>[vector<16xi32>, vector<16xi32>], vector<16xf32>, vector<16xi1>
      %get3A_324 = arith.constant 0 : i32
      %get3A_325 = arith.index_cast %rem3A_255 : i32 to index
      %get3A_326 = arith.index_cast %get3A_324 : i32 to index
      %get3A_327 = arith.constant 32 : index
      %get3A_328 = tpu.vector_load %arg8[%get3A_325, %get3A_326, %get3A_327] {strides = array<i32>} : memref<7x2x48xi32, #tpu.memory_space<vmem>>, vector<16xi32>,
      %broadcast_in_dim3A_329 = arith.constant true
      %broadcast_in_dim3A_330 = vector.broadcast %broadcast_in_dim3A_329 : i1 to vector<16xi1>
      %unique3A_331, %unique3A_332 = tpu.scan_count mask(%broadcast_in_dim3A_330 : vector<16xi1>) value(%get3A_328 : vector<16xi32>) : vector<16xi1>, vector<16xi32>
      %shift_right_logical3A_333 = arith.constant 7 : i32
      %shift_right_logical3A_334 = vector.broadcast %shift_right_logical3A_333 : i32 to vector<16xi32>
      %shift_right_logical3A_335 = arith.shrui %get3A_328, %shift_right_logical3A_334 : vector<16xi32>
      %and3A_336 = arith.constant 127 : i32
      %and3A_337 = vector.broadcast %and3A_336 : i32 to vector<16xi32>
      %and3A_338 = arith.andi %get3A_328, %and3A_337 : vector<16xi32>
      %convert_element_type3A_339 = arith.sitofp %unique3A_332 : vector<16xi32> to vector<16xf32>
      tpu.vector_store_idx %arg10[%shift_right_logical3A_335, %and3A_338], %convert_element_type3A_339 masked %unique3A_331 {add = true} : memref<80x128xf32, #tpu.memory_space<vmem>>[vector<16xi32>, vector<16xi32>], vector<16xf32>, vector<16xi1>
    }
    %scan3A_219 = arith.constant 209 : i32
    %dma_wait3A_220 = arith.constant 3 : i32
    %dma_wait3A_221 = arith.constant 4 : i32
    %dma_wait3A_222 = arith.constant 0 : i32
    %dma_wait3A_223 = arith.constant 0 : i32
    %dma_wait3A_224 = arith.constant 0 : i32
    %dma_wait3A_225 = tpu.memref_slice %arg9[%dma_wait3A_220, %dma_wait3A_223, %dma_wait3A_224] : memref<6x48x128xf32, #tpu.memory_space<vmem>> -> memref<1x48x128xf32, #tpu.memory_space<vmem>>
    %dma_wait3A_226 = tpu.memref_squeeze %dma_wait3A_225 : memref<1x48x128xf32, #tpu.memory_space<vmem>> -> memref<48x128xf32, #tpu.memory_space<vmem>>
    %dma_wait3A_227 = arith.constant 0 : i32
    %dma_wait3A_228 = tpu.memref_slice %arg8[%dma_wait3A_221, %dma_wait3A_222, %dma_wait3A_227] : memref<7x2x48xi32, #tpu.memory_space<vmem>> -> memref<1x1x48xi32, #tpu.memory_space<vmem>>
    %dma_wait3A_229 = tpu.memref_squeeze %dma_wait3A_228 : memref<1x1x48xi32, #tpu.memory_space<vmem>> -> memref<48xi32, #tpu.memory_space<vmem>>
    %dma_wait3A_230 = arith.constant 0 : i32
    %dma_wait3A_231 = arith.constant 0 : i32
    %dma_wait3A_232 = tpu.memref_slice %arg12[%dma_wait3A_230, %dma_wait3A_231] : memref<10112x128xf32, #tpu.memory_space<vmem_shared>> -> memref<10112x128xf32, #tpu.memory_space<vmem_shared>>
    tpu.wait_indirect_dma semaphore(%arg16 : memref<!tpu.dma_semaphore, #tpu.memory_space<semaphore_mem>>) src(%dma_wait3A_226 : memref<48x128xf32, #tpu.memory_space<vmem>>) dst(%dma_wait3A_232 : memref<10112x128xf32, #tpu.memory_space<vmem_shared>>)
    %dma_wait3A_233 = arith.constant 4 : i32
    %dma_wait3A_234 = arith.constant 5 : i32
    %dma_wait3A_235 = arith.constant 0 : i32
    %dma_wait3A_236 = arith.constant 0 : i32
    %dma_wait3A_237 = arith.constant 0 : i32
    %dma_wait3A_238 = tpu.memref_slice %arg9[%dma_wait3A_233, %dma_wait3A_236, %dma_wait3A_237] : memref<6x48x128xf32, #tpu.memory_space<vmem>> -> memref<1x48x128xf32, #tpu.memory_space<vmem>>
    %dma_wait3A_239 = tpu.memref_squeeze %dma_wait3A_238 : memref<1x48x128xf32, #tpu.memory_space<vmem>> -> memref<48x128xf32, #tpu.memory_space<vmem>>
    %dma_wait3A_240 = arith.constant 0 : i32
    %dma_wait3A_241 = tpu.memref_slice %arg8[%dma_wait3A_234, %dma_wait3A_235, %dma_wait3A_240] : memref<7x2x48xi32, #tpu.memory_space<vmem>> -> memref<1x1x48xi32, #tpu.memory_space<vmem>>
    %dma_wait3A_242 = tpu.memref_squeeze %dma_wait3A_241 : memref<1x1x48xi32, #tpu.memory_space<vmem>> -> memref<48xi32, #tpu.memory_space<vmem>>
    %dma_wait3A_243 = arith.constant 0 : i32
    %dma_wait3A_244 = arith.constant 0 : i32
    %dma_wait3A_245 = tpu.memref_slice %arg12[%dma_wait3A_243, %dma_wait3A_244] : memref<10112x128xf32, #tpu.memory_space<vmem_shared>> -> memref<10112x128xf32, #tpu.memory_space<vmem_shared>>
    tpu.wait_indirect_dma semaphore(%arg16 : memref<!tpu.dma_semaphore, #tpu.memory_space<semaphore_mem>>) src(%dma_wait3A_239 : memref<48x128xf32, #tpu.memory_space<vmem>>) dst(%dma_wait3A_245 : memref<10112x128xf32, #tpu.memory_space<vmem_shared>>)
    %run_scoped3A = arith.constant 0 : i32
    "tpu.region"() ({
      %run_scoped3A_252 = tpu.sem_alloc : memref<!tpu.dma_semaphore, #tpu.memory_space<semaphore_mem>>
      %dma_start3A_253 = arith.constant 0 : i32
      %dma_start3A_254 = tpu.memref_slice %arg11[%run_scoped3A, %dma_start3A_253] : memref<1x80xi32, #tpu.memory_space<vmem>> -> memref<1x80xi32, #tpu.memory_space<vmem>>
      %dma_start3A_255 = tpu.memref_squeeze %dma_start3A_254 : memref<1x80xi32, #tpu.memory_space<vmem>> -> memref<80xi32, #tpu.memory_space<vmem>>
      %dma_start3A_256 = arith.constant 0 : i32
      %dma_start3A_257 = arith.constant 0 : i32
      %dma_start3A_258 = tpu.memref_slice %arg13[%dma_start3A_256, %dma_start3A_257] : memref<80x128xf32, #tpu.memory_space<vmem_shared>> -> memref<80x128xf32, #tpu.memory_space<vmem_shared>>
      tpu.enqueue_indirect_dma source(%arg10 : memref<80x128xf32, #tpu.memory_space<vmem>>) target(%dma_start3A_258 : memref<80x128xf32, #tpu.memory_space<vmem_shared>>) offsets(%dma_start3A_255 : memref<80xi32, #tpu.memory_space<vmem>>) semaphore(%run_scoped3A_252 : memref<!tpu.dma_semaphore, #tpu.memory_space<semaphore_mem>>) {add = true}
      %dma_wait3A_259 = arith.constant 0 : i32
      %dma_wait3A_260 = tpu.memref_slice %arg11[%run_scoped3A, %dma_wait3A_259] : memref<1x80xi32, #tpu.memory_space<vmem>> -> memref<1x80xi32, #tpu.memory_space<vmem>>
      %dma_wait3A_261 = tpu.memref_squeeze %dma_wait3A_260 : memref<1x80xi32, #tpu.memory_space<vmem>> -> memref<80xi32, #tpu.memory_space<vmem>>
      %dma_wait3A_262 = arith.constant 0 : i32
      %dma_wait3A_263 = arith.constant 0 : i32
      %dma_wait3A_264 = tpu.memref_slice %arg13[%dma_wait3A_262, %dma_wait3A_263] : memref<80x128xf32, #tpu.memory_space<vmem_shared>> -> memref<80x128xf32, #tpu.memory_space<vmem_shared>>
      tpu.wait_indirect_dma semaphore(%run_scoped3A_252 : memref<!tpu.dma_semaphore, #tpu.memory_space<semaphore_mem>>) src(%arg10 : memref<80x128xf32, #tpu.memory_space<vmem>>) dst(%dma_wait3A_264 : memref<80x128xf32, #tpu.memory_space<vmem_shared>>)
      tpu.yield
    }) : () -> ()
    %barrier3A_246 = arith.constant 0 : index
    tpu.barrier barrier_id(%barrier3A_246)
    "tpu.region"() ({
      %run_scoped3A_252 = tpu.sem_alloc : memref<!tpu.dma_semaphore, #tpu.memory_space<semaphore_mem>>
      %dma_start3A_253 = arith.constant 0 : i32
      %dma_start3A_254 = tpu.memref_slice %arg6[%arg0, %mul3A_0, %dma_start3A_253] : memref<2x10112x128xf32, #tpu.memory_space<hbm>> -> memref<1x632x128xf32, #tpu.memory_space<hbm>>
      %dma_start3A_255 = tpu.memref_squeeze %dma_start3A_254 : memref<1x632x128xf32, #tpu.memory_space<hbm>> -> memref<632x128xf32, #tpu.memory_space<hbm>>
      %dma_start3A_256 = arith.constant 0 : i32
      %dma_start3A_257 = tpu.memref_slice %arg12[%mul3A_0, %dma_start3A_256] : memref<10112x128xf32, #tpu.memory_space<vmem_shared>> -> memref<632x128xf32, #tpu.memory_space<vmem_shared>>
      tpu.enqueue_dma source(%dma_start3A_257 : memref<632x128xf32, #tpu.memory_space<vmem_shared>>) target(%dma_start3A_255 : memref<632x128xf32, #tpu.memory_space<hbm>>) target_semaphore(%run_scoped3A_252 : memref<!tpu.dma_semaphore, #tpu.memory_space<semaphore_mem>>)
      %dma_wait3A_258 = arith.constant 0 : i32
      %dma_wait3A_259 = tpu.memref_slice %arg6[%arg0, %mul3A_0, %dma_wait3A_258] : memref<2x10112x128xf32, #tpu.memory_space<hbm>> -> memref<1x632x128xf32, #tpu.memory_space<hbm>>
      %dma_wait3A_260 = tpu.memref_squeeze %dma_wait3A_259 : memref<1x632x128xf32, #tpu.memory_space<hbm>> -> memref<632x128xf32, #tpu.memory_space<hbm>>
      %dma_wait3A_261 = arith.constant 0 : i32
      %dma_wait3A_262 = tpu.memref_slice %arg12[%mul3A_0, %dma_wait3A_261] : memref<10112x128xf32, #tpu.memory_space<vmem_shared>> -> memref<632x128xf32, #tpu.memory_space<vmem_shared>>
      tpu.wait_dma2 semaphore(%run_scoped3A_252 : memref<!tpu.dma_semaphore, #tpu.memory_space<semaphore_mem>>) src(%dma_wait3A_262 : memref<632x128xf32, #tpu.memory_space<vmem_shared>>) dst(%dma_wait3A_260 : memref<632x128xf32, #tpu.memory_space<hbm>>)
      tpu.yield
    }) : () -> ()
    %lt3A_247 = arith.constant 10 : i32
    %lt3A_248 = arith.cmpi slt, %arg1, %lt3A_247 : i32
    %convert_element_type3A_249 = arith.extui %lt3A_248 : i1 to i32
    %cond3A_250 = arith.constant 0 : i32
    %cond3A_251 = arith.cmpi ne, %convert_element_type3A_249, %cond3A_250 : i32
    scf.if %cond3A_251 {
      %mul3A_252 = arith.constant 8 : i32
      %mul3A_253 = arith.muli %arg1, %mul3A_252 : i32
      %mul3A_254 = arith.constant 8 : i32
      %mul3A_255 = arith.muli %arg1, %mul3A_254 : i32
      "tpu.region"() ({
        %run_scoped3A_256 = tpu.sem_alloc : memref<!tpu.dma_semaphore, #tpu.memory_space<semaphore_mem>>
        %dma_start3A_257 = arith.constant 0 : i32
        %dma_start3A_258 = tpu.memref_slice %arg7[%arg0, %mul3A_255, %dma_start3A_257] : memref<2x80x128xf32, #tpu.memory_space<hbm>> -> memref<1x8x128xf32, #tpu.memory_space<hbm>>
        %dma_start3A_259 = tpu.memref_squeeze %dma_start3A_258 : memref<1x8x128xf32, #tpu.memory_space<hbm>> -> memref<8x128xf32, #tpu.memory_space<hbm>>
        %dma_start3A_260 = arith.constant 0 : i32
        %dma_start3A_261 = tpu.memref_slice %arg13[%mul3A_253, %dma_start3A_260] : memref<80x128xf32, #tpu.memory_space<vmem_shared>> -> memref<8x128xf32, #tpu.memory_space<vmem_shared>>
        tpu.enqueue_dma source(%dma_start3A_261 : memref<8x128xf32, #tpu.memory_space<vmem_shared>>) target(%dma_start3A_259 : memref<8x128xf32, #tpu.memory_space<hbm>>) target_semaphore(%run_scoped3A_256 : memref<!tpu.dma_semaphore, #tpu.memory_space<semaphore_mem>>)
        %dma_wait3A_262 = arith.constant 0 : i32
        %dma_wait3A_263 = tpu.memref_slice %arg7[%arg0, %mul3A_255, %dma_wait3A_262] : memref<2x80x128xf32, #tpu.memory_space<hbm>> -> memref<1x8x128xf32, #tpu.memory_space<hbm>>
        %dma_wait3A_264 = tpu.memref_squeeze %dma_wait3A_263 : memref<1x8x128xf32, #tpu.memory_space<hbm>> -> memref<8x128xf32, #tpu.memory_space<hbm>>
        %dma_wait3A_265 = arith.constant 0 : i32
        %dma_wait3A_266 = tpu.memref_slice %arg13[%mul3A_253, %dma_wait3A_265] : memref<80x128xf32, #tpu.memory_space<vmem_shared>> -> memref<8x128xf32, #tpu.memory_space<vmem_shared>>
        tpu.wait_dma2 semaphore(%run_scoped3A_256 : memref<!tpu.dma_semaphore, #tpu.memory_space<semaphore_mem>>) src(%dma_wait3A_266 : memref<8x128xf32, #tpu.memory_space<vmem_shared>>) dst(%dma_wait3A_264 : memref<8x128xf32, #tpu.memory_space<hbm>>)
        tpu.yield
      }) : () -> ()
    } else {
    }
    return
  }
}

module attributes {stable_mosaic.version = 14 : i64} {
  func.func @gcn_tc_dense(%arg0: i32, %arg1: memref<2x2000x128xf32, #tpu.memory_space<vmem>>, %arg2: memref<2x2000x1xf32, #tpu.memory_space<vmem>>, %arg3: memref<1x2xf32, #tpu.memory_space<vmem>>, %arg4: memref<128x512xf32, #tpu.memory_space<vmem>>, %arg5: memref<1x512xf32, #tpu.memory_space<vmem>>, %arg6: memref<512x128xf32, #tpu.memory_space<vmem>>, %arg7: memref<1x128xf32, #tpu.memory_space<vmem>>, %arg8: memref<2000x128xf32, #tpu.memory_space<vmem>>) attributes {dimension_semantics = [#tpu.dimension_semantics<arbitrary>], iteration_bounds = array<i64: 5>, scalar_prefetch = 0 : i64, scratch_operands = 0 : i64, tpu.core_type = #tpu.core_type<tc>, window_params = [{transform_indices = @transform_0, window_bounds = array<i64: 2, 2000, 128>}, {transform_indices = @transform_1, window_bounds = array<i64: 2, 2000, 1>}, {pipeline_mode = #tpu.pipeline_mode<synchronous>, transform_indices = @transform_2, window_bounds = array<i64: 1, 2>}, {pipeline_mode = #tpu.pipeline_mode<synchronous>, transform_indices = @transform_3, window_bounds = array<i64: 128, 512>}, {pipeline_mode = #tpu.pipeline_mode<synchronous>, transform_indices = @transform_4, window_bounds = array<i64: 1, 512>}, {pipeline_mode = #tpu.pipeline_mode<synchronous>, transform_indices = @transform_5, window_bounds = array<i64: 512, 128>}, {pipeline_mode = #tpu.pipeline_mode<synchronous>, transform_indices = @transform_6, window_bounds = array<i64: 1, 128>}, {transform_indices = @transform_7, window_bounds = array<i64: 2000, 128>}]} {
    %get3A = arith.constant 0 : index
    %get3A_0 = arith.constant 0 : index
    %get3A_1 = vector.load %arg3[%get3A, %get3A_0] : memref<1x2xf32, #tpu.memory_space<vmem>>, vector<1x2xf32>
    %slice3A = vector.extract_strided_slice %get3A_1 {offsets = [0, 0], sizes = [1, 1], strides = [1, 1]} : vector<1x2xf32> to vector<1x1xf32>
    %squeeze3A = vector.extract %slice3A[0, 0] : f32 from vector<1x1xf32>
    %slice3A_2 = vector.extract_strided_slice %get3A_1 {offsets = [0, 1], sizes = [1, 1], strides = [1, 1]} : vector<1x2xf32> to vector<1x1xf32>
    %squeeze3A_3 = vector.extract %slice3A_2[0, 0] : f32 from vector<1x1xf32>
    %max3A = arith.maximumf %squeeze3A, %squeeze3A_3 : f32
    %slice3A_4 = vector.extract_strided_slice %get3A_1 {offsets = [0, 0], sizes = [1, 1], strides = [1, 1]} : vector<1x2xf32> to vector<1x1xf32>
    %squeeze3A_5 = vector.extract %slice3A_4[0, 0] : f32 from vector<1x1xf32>
    %sub3A = arith.subf %squeeze3A_5, %max3A : f32
    %exp3A = math.exp %sub3A : f32
    %slice3A_6 = vector.extract_strided_slice %get3A_1 {offsets = [0, 1], sizes = [1, 1], strides = [1, 1]} : vector<1x2xf32> to vector<1x1xf32>
    %squeeze3A_7 = vector.extract %slice3A_6[0, 0] : f32 from vector<1x1xf32>
    %sub3A_8 = arith.subf %squeeze3A_7, %max3A : f32
    %exp3A_9 = math.exp %sub3A_8 : f32
    %add3A = arith.addf %exp3A, %exp3A_9 : f32
    %div3A = arith.divf %exp3A, %add3A : f32
    %add3A_10 = arith.addf %exp3A, %exp3A_9 : f32
    %div3A_11 = arith.divf %exp3A_9, %add3A_10 : f32
    %get3A_12 = arith.constant 0 : index
    %get3A_13 = arith.constant 0 : index
    %get3A_14 = arith.constant 0 : index
    %get3A_15 = vector.load %arg2[%get3A_12, %get3A_13, %get3A_14] : memref<2x2000x1xf32, #tpu.memory_space<vmem>>, vector<2x2000x1xf32>
    %slice3A_16 = vector.extract_strided_slice %get3A_15 {offsets = [0, 0, 0], sizes = [1, 2000, 1], strides = [1, 1, 1]} : vector<2x2000x1xf32> to vector<1x2000x1xf32>
    %squeeze3A_17 = vector.shape_cast %slice3A_16 : vector<1x2000x1xf32> to vector<2000x1xf32>
    %slice3A_18 = vector.extract_strided_slice %get3A_15 {offsets = [1, 0, 0], sizes = [1, 2000, 1], strides = [1, 1, 1]} : vector<2x2000x1xf32> to vector<1x2000x1xf32>
    %squeeze3A_19 = vector.shape_cast %slice3A_18 : vector<1x2000x1xf32> to vector<2000x1xf32>
    %gt3A = arith.constant 0.000000e+00 : f32
    %gt3A_20 = vector.broadcast %gt3A : f32 to vector<2000x1xf32>
    %gt3A_21 = arith.cmpf ogt, %squeeze3A_17, %gt3A_20 : vector<2000x1xf32>
    %gt3A_22 = arith.constant 0.000000e+00 : f32
    %gt3A_23 = vector.broadcast %gt3A_22 : f32 to vector<2000x1xf32>
    %gt3A_24 = arith.cmpf ogt, %squeeze3A_17, %gt3A_23 : vector<2000x1xf32>
    %jit3A = arith.constant 1.000000e+00 : f32
    %broadcast_in_dim3A = vector.broadcast %jit3A : f32 to vector<2000x1xf32>
    %select_n3A = arith.select %gt3A_24, %squeeze3A_17, %broadcast_in_dim3A : vector<2000x1xi1>, vector<2000x1xf32>
    %div3A_25 = vector.broadcast %div3A : f32 to vector<2000x1xf32>
    %div3A_26 = arith.divf %div3A_25, %select_n3A : vector<2000x1xf32>
    %jit3A_27 = arith.constant 0.000000e+00 : f32
    %broadcast_in_dim3A_28 = vector.broadcast %jit3A_27 : f32 to vector<2000x1xf32>
    %select_n3A_29 = arith.select %gt3A_21, %div3A_26, %broadcast_in_dim3A_28 : vector<2000x1xi1>, vector<2000x1xf32>
    %gt3A_30 = arith.constant 0.000000e+00 : f32
    %gt3A_31 = vector.broadcast %gt3A_30 : f32 to vector<2000x1xf32>
    %gt3A_32 = arith.cmpf ogt, %squeeze3A_19, %gt3A_31 : vector<2000x1xf32>
    %gt3A_33 = arith.constant 0.000000e+00 : f32
    %gt3A_34 = vector.broadcast %gt3A_33 : f32 to vector<2000x1xf32>
    %gt3A_35 = arith.cmpf ogt, %squeeze3A_19, %gt3A_34 : vector<2000x1xf32>
    %jit3A_36 = arith.constant 1.000000e+00 : f32
    %broadcast_in_dim3A_37 = vector.broadcast %jit3A_36 : f32 to vector<2000x1xf32>
    %select_n3A_38 = arith.select %gt3A_35, %squeeze3A_19, %broadcast_in_dim3A_37 : vector<2000x1xi1>, vector<2000x1xf32>
    %div3A_39 = vector.broadcast %div3A_11 : f32 to vector<2000x1xf32>
    %div3A_40 = arith.divf %div3A_39, %select_n3A_38 : vector<2000x1xf32>
    %jit3A_41 = arith.constant 0.000000e+00 : f32
    %broadcast_in_dim3A_42 = vector.broadcast %jit3A_41 : f32 to vector<2000x1xf32>
    %select_n3A_43 = arith.select %gt3A_32, %div3A_40, %broadcast_in_dim3A_42 : vector<2000x1xi1>, vector<2000x1xf32>
    %get3A_44 = arith.constant 0 : index
    %get3A_45 = arith.constant 0 : index
    %get3A_46 = arith.constant 0 : index
    %get3A_47 = vector.load %arg1[%get3A_44, %get3A_45, %get3A_46] : memref<2x2000x128xf32, #tpu.memory_space<vmem>>, vector<1x2000x128xf32>
    %get3A_48 = vector.shape_cast %get3A_47 : vector<1x2000x128xf32> to vector<2000x128xf32>
    %mul3A = vector.broadcast %select_n3A_29 : vector<2000x1xf32> to vector<2000x128xf32>
    %mul3A_49 = arith.mulf %get3A_48, %mul3A : vector<2000x128xf32>
    %get3A_50 = arith.constant 1 : index
    %get3A_51 = arith.constant 0 : index
    %get3A_52 = arith.constant 0 : index
    %get3A_53 = vector.load %arg1[%get3A_50, %get3A_51, %get3A_52] : memref<2x2000x128xf32, #tpu.memory_space<vmem>>, vector<1x2000x128xf32>
    %get3A_54 = vector.shape_cast %get3A_53 : vector<1x2000x128xf32> to vector<2000x128xf32>
    %mul3A_55 = vector.broadcast %select_n3A_43 : vector<2000x1xf32> to vector<2000x128xf32>
    %mul3A_56 = arith.mulf %get3A_54, %mul3A_55 : vector<2000x128xf32>
    %add3A_57 = arith.addf %mul3A_49, %mul3A_56 : vector<2000x128xf32>
    %gt3A_58 = arith.constant 0.000000e+00 : f32
    %gt3A_59 = vector.broadcast %gt3A_58 : f32 to vector<2000x1xf32>
    %gt3A_60 = arith.cmpf ogt, %squeeze3A_17, %gt3A_59 : vector<2000x1xf32>
    %jit3A_61 = arith.constant 0.000000e+00 : f32
    %broadcast_in_dim3A_62 = vector.broadcast %div3A : f32 to vector<2000x1xf32>
    %broadcast_in_dim3A_63 = vector.broadcast %jit3A_61 : f32 to vector<2000x1xf32>
    %select_n3A_64 = arith.select %gt3A_60, %broadcast_in_dim3A_62, %broadcast_in_dim3A_63 : vector<2000x1xi1>, vector<2000x1xf32>
    %gt3A_65 = arith.constant 0.000000e+00 : f32
    %gt3A_66 = vector.broadcast %gt3A_65 : f32 to vector<2000x1xf32>
    %gt3A_67 = arith.cmpf ogt, %squeeze3A_19, %gt3A_66 : vector<2000x1xf32>
    %jit3A_68 = arith.constant 0.000000e+00 : f32
    %broadcast_in_dim3A_69 = vector.broadcast %div3A_11 : f32 to vector<2000x1xf32>
    %broadcast_in_dim3A_70 = vector.broadcast %jit3A_68 : f32 to vector<2000x1xf32>
    %select_n3A_71 = arith.select %gt3A_67, %broadcast_in_dim3A_69, %broadcast_in_dim3A_70 : vector<2000x1xi1>, vector<2000x1xf32>
    %add3A_72 = arith.addf %select_n3A_64, %select_n3A_71 : vector<2000x1xf32>
    %get3A_73 = arith.constant 0 : index
    %get3A_74 = arith.constant 0 : index
    %get3A_75 = vector.load %arg4[%get3A_73, %get3A_74] : memref<128x512xf32, #tpu.memory_space<vmem>>, vector<128x512xf32>
    %dot_general3A = arith.constant dense<0.000000e+00> : vector<2000x512xf32>
    %dot_general3A_76 = tpu.matmul %add3A_57, %get3A_75, %dot_general3A {dimension_numbers = #tpu.dot_dimension_numbers<[1], [0], [0], [1], [0, 0, 1, 1], [], []>, transpose_lhs_hint = false} : vector<2000x128xf32>, vector<128x512xf32>, vector<2000x512xf32> -> vector<2000x512xf32>
    %get3A_77 = arith.constant 0 : index
    %get3A_78 = arith.constant 0 : index
    %get3A_79 = vector.load %arg5[%get3A_77, %get3A_78] : memref<1x512xf32, #tpu.memory_space<vmem>>, vector<1x512xf32>
    %mul3A_80 = vector.broadcast %add3A_72 : vector<2000x1xf32> to vector<2000x512xf32>
    %mul3A_81 = vector.broadcast %get3A_79 : vector<1x512xf32> to vector<2000x512xf32>
    %mul3A_82 = arith.mulf %mul3A_80, %mul3A_81 : vector<2000x512xf32>
    %add3A_83 = arith.addf %dot_general3A_76, %mul3A_82 : vector<2000x512xf32>
    %gt3A_84 = arith.constant 0.000000e+00 : f32
    %gt3A_85 = vector.broadcast %gt3A_84 : f32 to vector<2000x512xf32>
    %gt3A_86 = arith.cmpf ogt, %add3A_83, %gt3A_85 : vector<2000x512xf32>
    %mul3A_87 = arith.constant 2.000000e-01 : f32
    %mul3A_88 = vector.broadcast %mul3A_87 : f32 to vector<2000x512xf32>
    %mul3A_89 = arith.mulf %mul3A_88, %add3A_83 : vector<2000x512xf32>
    %select_n3A_90 = arith.select %gt3A_86, %add3A_83, %mul3A_89 : vector<2000x512xi1>, vector<2000x512xf32>
    %get3A_91 = arith.constant 0 : index
    %get3A_92 = arith.constant 0 : index
    %get3A_93 = vector.load %arg6[%get3A_91, %get3A_92] : memref<512x128xf32, #tpu.memory_space<vmem>>, vector<512x128xf32>
    %dot_general3A_94 = arith.constant dense<0.000000e+00> : vector<2000x128xf32>
    %dot_general3A_95 = tpu.matmul %select_n3A_90, %get3A_93, %dot_general3A_94 {dimension_numbers = #tpu.dot_dimension_numbers<[1], [0], [0], [1], [0, 0, 1, 1], [], []>, transpose_lhs_hint = false} : vector<2000x512xf32>, vector<512x128xf32>, vector<2000x128xf32> -> vector<2000x128xf32>
    %get3A_96 = arith.constant 0 : index
    %get3A_97 = arith.constant 0 : index
    %get3A_98 = vector.load %arg7[%get3A_96, %get3A_97] : memref<1x128xf32, #tpu.memory_space<vmem>>, vector<1x128xf32>
    %add3A_99 = vector.broadcast %get3A_98 : vector<1x128xf32> to vector<2000x128xf32>
    %add3A_100 = arith.addf %dot_general3A_95, %add3A_99 : vector<2000x128xf32>
    %swap3A = arith.constant 0 : index
    %swap3A_101 = arith.constant 0 : index
    %swap3A_102 = vector.load %arg8[%swap3A, %swap3A_101] : memref<2000x128xf32, #tpu.memory_space<vmem>>, vector<2000x128xf32>
    tpu.vector_store %arg8[%swap3A, %swap3A_101], %add3A_100 {strides = array<i32>} : memref<2000x128xf32, #tpu.memory_space<vmem>>, vector<2000x128xf32>,
    return
  }
  func.func @transform_0(%arg0: i32) -> (i32, i32, i32) {
    %c0_i32 = arith.constant 0 : i32
    %c0_i32_0 = arith.constant 0 : i32
    %c0_i32_1 = arith.constant 0 : i32
    return %c0_i32, %arg0, %c0_i32_0 : i32, i32, i32
  }
  func.func @transform_1(%arg0: i32) -> (i32, i32, i32) {
    %c0_i32 = arith.constant 0 : i32
    %c0_i32_0 = arith.constant 0 : i32
    %c0_i32_1 = arith.constant 0 : i32
    return %c0_i32, %arg0, %c0_i32_0 : i32, i32, i32
  }
  func.func @transform_2(%arg0: i32) -> (i32, i32) {
    %c0_i32 = arith.constant 0 : i32
    %c0_i32_0 = arith.constant 0 : i32
    %c0_i32_1 = arith.constant 0 : i32
    return %c0_i32, %c0_i32_0 : i32, i32
  }
  func.func @transform_3(%arg0: i32) -> (i32, i32) {
    %c0_i32 = arith.constant 0 : i32
    %c0_i32_0 = arith.constant 0 : i32
    %c0_i32_1 = arith.constant 0 : i32
    return %c0_i32, %c0_i32_0 : i32, i32
  }
  func.func @transform_4(%arg0: i32) -> (i32, i32) {
    %c0_i32 = arith.constant 0 : i32
    %c0_i32_0 = arith.constant 0 : i32
    %c0_i32_1 = arith.constant 0 : i32
    return %c0_i32, %c0_i32_0 : i32, i32
  }
  func.func @transform_5(%arg0: i32) -> (i32, i32) {
    %c0_i32 = arith.constant 0 : i32
    %c0_i32_0 = arith.constant 0 : i32
    %c0_i32_1 = arith.constant 0 : i32
    return %c0_i32, %c0_i32_0 : i32, i32
  }
  func.func @transform_6(%arg0: i32) -> (i32, i32) {
    %c0_i32 = arith.constant 0 : i32
    %c0_i32_0 = arith.constant 0 : i32
    %c0_i32_1 = arith.constant 0 : i32
    return %c0_i32, %c0_i32_0 : i32, i32
  }
  func.func @transform_7(%arg0: i32) -> (i32, i32) {
    %c0_i32 = arith.constant 0 : i32
    %c0_i32_0 = arith.constant 0 : i32
    return %arg0, %c0_i32 : i32, i32
  }
}

module attributes {stable_mosaic.version = 14 : i64} {
  func.func @gcn_tc_norm(%arg0: i32, %arg1: memref<2x2000x128xf32, #tpu.memory_space<vmem>>, %arg2: memref<2x2000x1xf32, #tpu.memory_space<vmem>>, %arg3: memref<1x2xf32, #tpu.memory_space<vmem>>, %arg4: memref<2000x128xf32, #tpu.memory_space<vmem>>) attributes {dimension_semantics = [#tpu.dimension_semantics<arbitrary>], iteration_bounds = array<i64: 5>, scalar_prefetch = 0 : i64, scratch_operands = 0 : i64, tpu.core_type = #tpu.core_type<tc>, window_params = [{transform_indices = @transform_0, window_bounds = array<i64: 2, 2000, 128>}, {transform_indices = @transform_1, window_bounds = array<i64: 2, 2000, 1>}, {pipeline_mode = #tpu.pipeline_mode<synchronous>, transform_indices = @transform_2, window_bounds = array<i64: 1, 2>}, {transform_indices = @transform_3, window_bounds = array<i64: 2000, 128>}]} {
    %get3A = arith.constant 0 : index
    %get3A_0 = arith.constant 0 : index
    %get3A_1 = vector.load %arg3[%get3A, %get3A_0] : memref<1x2xf32, #tpu.memory_space<vmem>>, vector<1x2xf32>
    %slice3A = vector.extract_strided_slice %get3A_1 {offsets = [0, 0], sizes = [1, 1], strides = [1, 1]} : vector<1x2xf32> to vector<1x1xf32>
    %squeeze3A = vector.extract %slice3A[0, 0] : f32 from vector<1x1xf32>
    %slice3A_2 = vector.extract_strided_slice %get3A_1 {offsets = [0, 1], sizes = [1, 1], strides = [1, 1]} : vector<1x2xf32> to vector<1x1xf32>
    %squeeze3A_3 = vector.extract %slice3A_2[0, 0] : f32 from vector<1x1xf32>
    %max3A = arith.maximumf %squeeze3A, %squeeze3A_3 : f32
    %slice3A_4 = vector.extract_strided_slice %get3A_1 {offsets = [0, 0], sizes = [1, 1], strides = [1, 1]} : vector<1x2xf32> to vector<1x1xf32>
    %squeeze3A_5 = vector.extract %slice3A_4[0, 0] : f32 from vector<1x1xf32>
    %sub3A = arith.subf %squeeze3A_5, %max3A : f32
    %exp3A = math.exp %sub3A : f32
    %slice3A_6 = vector.extract_strided_slice %get3A_1 {offsets = [0, 1], sizes = [1, 1], strides = [1, 1]} : vector<1x2xf32> to vector<1x1xf32>
    %squeeze3A_7 = vector.extract %slice3A_6[0, 0] : f32 from vector<1x1xf32>
    %sub3A_8 = arith.subf %squeeze3A_7, %max3A : f32
    %exp3A_9 = math.exp %sub3A_8 : f32
    %add3A = arith.addf %exp3A, %exp3A_9 : f32
    %div3A = arith.divf %exp3A, %add3A : f32
    %add3A_10 = arith.addf %exp3A, %exp3A_9 : f32
    %div3A_11 = arith.divf %exp3A_9, %add3A_10 : f32
    %get3A_12 = arith.constant 0 : index
    %get3A_13 = arith.constant 0 : index
    %get3A_14 = arith.constant 0 : index
    %get3A_15 = vector.load %arg2[%get3A_12, %get3A_13, %get3A_14] : memref<2x2000x1xf32, #tpu.memory_space<vmem>>, vector<2x2000x1xf32>
    %slice3A_16 = vector.extract_strided_slice %get3A_15 {offsets = [0, 0, 0], sizes = [1, 2000, 1], strides = [1, 1, 1]} : vector<2x2000x1xf32> to vector<1x2000x1xf32>
    %squeeze3A_17 = vector.shape_cast %slice3A_16 : vector<1x2000x1xf32> to vector<2000x1xf32>
    %slice3A_18 = vector.extract_strided_slice %get3A_15 {offsets = [1, 0, 0], sizes = [1, 2000, 1], strides = [1, 1, 1]} : vector<2x2000x1xf32> to vector<1x2000x1xf32>
    %squeeze3A_19 = vector.shape_cast %slice3A_18 : vector<1x2000x1xf32> to vector<2000x1xf32>
    %gt3A = arith.constant 0.000000e+00 : f32
    %gt3A_20 = vector.broadcast %gt3A : f32 to vector<2000x1xf32>
    %gt3A_21 = arith.cmpf ogt, %squeeze3A_17, %gt3A_20 : vector<2000x1xf32>
    %gt3A_22 = arith.constant 0.000000e+00 : f32
    %gt3A_23 = vector.broadcast %gt3A_22 : f32 to vector<2000x1xf32>
    %gt3A_24 = arith.cmpf ogt, %squeeze3A_17, %gt3A_23 : vector<2000x1xf32>
    %jit3A = arith.constant 1.000000e+00 : f32
    %broadcast_in_dim3A = vector.broadcast %jit3A : f32 to vector<2000x1xf32>
    %select_n3A = arith.select %gt3A_24, %squeeze3A_17, %broadcast_in_dim3A : vector<2000x1xi1>, vector<2000x1xf32>
    %div3A_25 = vector.broadcast %div3A : f32 to vector<2000x1xf32>
    %div3A_26 = arith.divf %div3A_25, %select_n3A : vector<2000x1xf32>
    %jit3A_27 = arith.constant 0.000000e+00 : f32
    %broadcast_in_dim3A_28 = vector.broadcast %jit3A_27 : f32 to vector<2000x1xf32>
    %select_n3A_29 = arith.select %gt3A_21, %div3A_26, %broadcast_in_dim3A_28 : vector<2000x1xi1>, vector<2000x1xf32>
    %gt3A_30 = arith.constant 0.000000e+00 : f32
    %gt3A_31 = vector.broadcast %gt3A_30 : f32 to vector<2000x1xf32>
    %gt3A_32 = arith.cmpf ogt, %squeeze3A_19, %gt3A_31 : vector<2000x1xf32>
    %gt3A_33 = arith.constant 0.000000e+00 : f32
    %gt3A_34 = vector.broadcast %gt3A_33 : f32 to vector<2000x1xf32>
    %gt3A_35 = arith.cmpf ogt, %squeeze3A_19, %gt3A_34 : vector<2000x1xf32>
    %jit3A_36 = arith.constant 1.000000e+00 : f32
    %broadcast_in_dim3A_37 = vector.broadcast %jit3A_36 : f32 to vector<2000x1xf32>
    %select_n3A_38 = arith.select %gt3A_35, %squeeze3A_19, %broadcast_in_dim3A_37 : vector<2000x1xi1>, vector<2000x1xf32>
    %div3A_39 = vector.broadcast %div3A_11 : f32 to vector<2000x1xf32>
    %div3A_40 = arith.divf %div3A_39, %select_n3A_38 : vector<2000x1xf32>
    %jit3A_41 = arith.constant 0.000000e+00 : f32
    %broadcast_in_dim3A_42 = vector.broadcast %jit3A_41 : f32 to vector<2000x1xf32>
    %select_n3A_43 = arith.select %gt3A_32, %div3A_40, %broadcast_in_dim3A_42 : vector<2000x1xi1>, vector<2000x1xf32>
    %get3A_44 = arith.constant 0 : index
    %get3A_45 = arith.constant 0 : index
    %get3A_46 = arith.constant 0 : index
    %get3A_47 = vector.load %arg1[%get3A_44, %get3A_45, %get3A_46] : memref<2x2000x128xf32, #tpu.memory_space<vmem>>, vector<1x2000x128xf32>
    %get3A_48 = vector.shape_cast %get3A_47 : vector<1x2000x128xf32> to vector<2000x128xf32>
    %mul3A = vector.broadcast %select_n3A_29 : vector<2000x1xf32> to vector<2000x128xf32>
    %mul3A_49 = arith.mulf %get3A_48, %mul3A : vector<2000x128xf32>
    %get3A_50 = arith.constant 1 : index
    %get3A_51 = arith.constant 0 : index
    %get3A_52 = arith.constant 0 : index
    %get3A_53 = vector.load %arg1[%get3A_50, %get3A_51, %get3A_52] : memref<2x2000x128xf32, #tpu.memory_space<vmem>>, vector<1x2000x128xf32>
    %get3A_54 = vector.shape_cast %get3A_53 : vector<1x2000x128xf32> to vector<2000x128xf32>
    %mul3A_55 = vector.broadcast %select_n3A_43 : vector<2000x1xf32> to vector<2000x128xf32>
    %mul3A_56 = arith.mulf %get3A_54, %mul3A_55 : vector<2000x128xf32>
    %add3A_57 = arith.addf %mul3A_49, %mul3A_56 : vector<2000x128xf32>
    %mul3A_58 = arith.mulf %add3A_57, %add3A_57 : vector<2000x128xf32>
    %reduce_sum3A = arith.constant dense<0.000000e+00> : vector<2000xf32>
    %reduce_sum3A_59 = vector.multi_reduction <add>, %mul3A_58, %reduce_sum3A [1] : vector<2000x128xf32> to vector<2000xf32>
    %broadcast_in_dim3A_60 = vector.shape_cast %reduce_sum3A_59 : vector<2000xf32> to vector<2000x1xf32>
    %sqrt3A = math.sqrt %broadcast_in_dim3A_60 : vector<2000x1xf32>
    %max3A_61 = arith.constant 9.99999996E-13 : f32
    %max3A_62 = vector.broadcast %max3A_61 : f32 to vector<2000x1xf32>
    %max3A_63 = arith.maximumf %sqrt3A, %max3A_62 : vector<2000x1xf32>
    %div3A_64 = vector.broadcast %max3A_63 : vector<2000x1xf32> to vector<2000x128xf32>
    %div3A_65 = arith.divf %add3A_57, %div3A_64 : vector<2000x128xf32>
    %swap3A = arith.constant 0 : index
    %swap3A_66 = arith.constant 0 : index
    %swap3A_67 = vector.load %arg4[%swap3A, %swap3A_66] : memref<2000x128xf32, #tpu.memory_space<vmem>>, vector<2000x128xf32>
    tpu.vector_store %arg4[%swap3A, %swap3A_66], %div3A_65 {strides = array<i32>} : memref<2000x128xf32, #tpu.memory_space<vmem>>, vector<2000x128xf32>,
    return
  }
  func.func @transform_0(%arg0: i32) -> (i32, i32, i32) {
    %c0_i32 = arith.constant 0 : i32
    %c0_i32_0 = arith.constant 0 : i32
    %c0_i32_1 = arith.constant 0 : i32
    return %c0_i32, %arg0, %c0_i32_0 : i32, i32, i32
  }
  func.func @transform_1(%arg0: i32) -> (i32, i32, i32) {
    %c0_i32 = arith.constant 0 : i32
    %c0_i32_0 = arith.constant 0 : i32
    %c0_i32_1 = arith.constant 0 : i32
    return %c0_i32, %arg0, %c0_i32_0 : i32, i32, i32
  }
  func.func @transform_2(%arg0: i32) -> (i32, i32) {
    %c0_i32 = arith.constant 0 : i32
    %c0_i32_0 = arith.constant 0 : i32
    %c0_i32_1 = arith.constant 0 : i32
    return %c0_i32, %c0_i32_0 : i32, i32
  }
  func.func @transform_3(%arg0: i32) -> (i32, i32) {
    %c0_i32 = arith.constant 0 : i32
    %c0_i32_0 = arith.constant 0 : i32
    return %arg0, %c0_i32 : i32, i32
  }
}

</mosaic_0001>

<sc_bundles>
// kernel: gcn_sc_prop1.3.cloned.1.call-start
scs
__scs_entry_jumppad:
0x0: {  	(pc) =	sbr.rel $0x88, $3  }
0x1: {  	(tag) =	ssettag $0x0;
	lr =	simm.s32 $0x1  }
0x2: {  	[smem:$0x3F96] =	sst lr;
	_ =	strace $0xD0000000  }
0x3: {  	_ = 	snop  }
0x4: {  	_ = 	snop  }
0x5: {  	_ = 	snop  }
0x6: {  	_ = 	snop  }
0x7: {  	_ = 	snop  }
__scs_overlays_trampoline_lowered:
0x8: {  	[smem:$0x3FA5] =	sst s0  }
0x9: {  	[smem:$0x3FA6] =	sst s1  }
0xa: {  	[smem:$0x3FA7] =	sst s2  }
0xb: {  	[smem:$0x3FA8] =	sst s3  }
0xc: {  	[smem:$0x3FA9] =	sst s4  }
0xd: {  	[smem:$0x3FAA] =	sst s5  }
0xe: {  	[smem:$0x3FAB] =	sst s6  }
0xf: {  	[smem:$0x3FAC] =	sst s7  }
0x10: {  	[smem:$0x3FAD] =	sst s8  }
0x11: {  	[smem:$0x3FAE] =	sst s9;
	s0 =	simm.s32 @!p0 $0x0  }
0x12: {  	s1 =	sld [smem:$0x3F94];
	s0 =	simm.s32 @p0 $0x1  }
0x13: {  	[smem:$0x3FAF] =	sst s0;
	s0 =	simm.s32 @!p1 $0x0  }
0x14: {  	s2 =	sld [smem:$0x3F93];
	s0 =	simm.s32 @p1 $0x1  }
0x15: {  	[smem:$0x3FB0] =	sst s0;
	s0 =	simm.s32 @!p2 $0x0  }
0x16: {  	s3 =	sld [smem:$0x3FDB];
	s0 =	simm.s32 @p2 $0x1  }
0x17: {  	s4 =	simm.s32 $0x1BF5;
	[smem:$0x3FB2] =	sst s0  }
0x18: {  	s0 =	sld [smem:$0x3F95];
	_ =	swait.ge [sflag:s4], $0x0  }
0x19: {  	s7 =	sld [smem:$0x3F96]  }
0x1a: {  	s8 =	sadd.s32 $0xFFFFE003, lr  }
0x1b: {  	s9 =	sadd.s32 $0xFFFFFEF7, lr;
	s5 =	simm.s32 $0xFFFFFFFF;
	p2 =	slt.u32 s8, $0xFFFFF086  }
0x1c: {  	p1 =	slt.u32 s9, $0xF7A;
	s5 =	simm.s32 @!p2 $0x0  }
0x1d: {  	s5 =	simm.s32 @p1 $0x1;
	p0 =	seq.s32 s7, s2  }
0x1e: {  	s7 =	smul.u32 @!p0 $0xF7A, s2;
	p2 =	seq.s32 @!p0 s5, $0x0  }
0x1f: {  	s9 =	smul.u32 $0xF7A, s1;
	s8 =	simm.s32 @!p0 $0x1BF5;
	p2 =	por !p2, p0  }
0x20: {  	[sflag:s8] =	ssyncset.s32 @!p0 $0xFFFFF086;
	s6 =	sadd.s32 @!p0 s3, s7;
	s7 =	simm.s32 @!p0 $0x108  }
0x21: {  	s3 =	sadd.s32 s3, s9;
	s6 =	sadd.s32 @!p0 $0x88, s6;
	s7 =	simm.s32 @p2 $0x1082  }
0x22: {  	[simem:s7], [sflag:s8] =	dma.local @!p0 [hbm:s6], $0xF7A  }
0x23: {  	s9 =	sor.u32 $0xD0000000, s2;
	s6 =	simm.s32 $0x108;
	_ =	swait.ge @!p0 [sflag:s8], $0x0  }
0x24: {  	s3 =	sadd.s32 $0x88, s3;
	s6 =	simm.s32 @!p1 $0x1082;
	[sflag:s4] =	ssyncset.s32 $0xFFFFF086  }
0x25: {  	[simem:s6], [sflag:s4] =	dma.local [hbm:s3], $0xF7A  }
0x26: {  	[smem:$0x3F96] =	sst s1;
	(tag) =	ssettag s2;
	_ =	strace s9  }
0x27: {  	s1 =	sld [smem:$0x3FA6]  }
0x28: {  	s2 =	sld [smem:$0x3FA7]  }
0x29: {  	s4 =	sld [smem:$0x3FA9]  }
0x2a: {  	p0 =	seq.s32 s5, $0x0;
	s5 =	sld [smem:$0x3FAA]  }
0x2b: {  	s6 =	sld [smem:$0x3FAB]  }
0x2c: {  	s7 =	sld [smem:$0x3FAC]  }
0x2d: {  	s3 =	simm.s32 $0x108;
	s8 =	sld [smem:$0x3FAD]  }
0x2e: {  	s3 =	simm.s32 @!p0 $0x1082;
	s9 =	sld [smem:$0x3FAE]  }
0x2f: {  	lr =	sadd.s32 s0, s3;
	s0 =	sld [smem:$0x3FA5]  }
0x30: {  	s3 =	sld [smem:$0x3FA8]  }
0x31: {  	[smem:$0x3FB1] =	sst s10  }
0x32: {  	s10 =	sld [smem:$0x3FAF];
	_ =	sdelay $0x3  }
0x33: {  	p0 =	seq.s32 s10, $0x1;
	s10 =	sld [smem:$0x3FB1];
	_ =	sdelay $0x3  }
0x34: {  	[smem:$0x3FB1] =	sst s10  }
0x35: {  	s10 =	sld [smem:$0x3FB0];
	_ =	sdelay $0x3  }
0x36: {  	p1 =	seq.s32 s10, $0x1;
	s10 =	sld [smem:$0x3FB1];
	_ =	sdelay $0x3  }
0x37: {  	[smem:$0x3FB1] =	sst s10  }
0x38: {  	s10 =	sld [smem:$0x3FB2]  }
0x39: {  	_ = 	snop;
	(pc) =	sbr.ind lr, $3  }
0x3a: {  	_ = 	snop  }
0x3b: {  	_ = 	snop  }
0x3c: {  	p2 =	seq.s32 s10, $0x1;
	s10 =	sld [smem:$0x3FB1]  }
0x3d: {  	_ =	shalt  }
0x3e: {  	_ =	shalt  }
0x3f: {  	_ =	shalt  }
0x40: {  	_ =	shalt  }
0x41: {  	_ =	shalt  }
0x42: {  	_ =	shalt  }
0x43: {  	_ =	shalt  }
0x44: {  	_ =	shalt  }
0x45: {  	_ =	shalt  }
0x46: {  	_ =	shalt  }
0x47: {  	_ =	shalt  }
0x48: {  	_ =	shalt  }
0x49: {  	_ =	shalt  }
0x4a: {  	_ =	shalt  }
0x4b: {  	_ =	shalt  }
0x4c: {  	_ =	shalt  }
0x4d: {  	_ =	shalt  }
0x4e: {  	_ =	shalt  }
0x4f: {  	_ =	shalt  }
0x50: {  	_ =	shalt  }
0x51: {  	_ =	shalt  }
0x52: {  	_ =	shalt  }
0x53: {  	_ =	shalt  }
0x54: {  	_ =	shalt  }
0x55: {  	_ =	shalt  }
0x56: {  	_ =	shalt  }
0x57: {  	_ =	shalt  }
0x58: {  	_ =	shalt  }
0x59: {  	_ =	shalt  }
0x5a: {  	_ =	shalt  }
0x5b: {  	_ =	shalt  }
0x5c: {  	_ =	shalt  }
0x5d: {  	_ =	shalt  }
0x5e: {  	_ =	shalt  }
0x5f: {  	_ =	shalt  }
0x60: {  	_ =	shalt  }
0x61: {  	_ =	shalt  }
0x62: {  	_ =	shalt  }
0x63: {  	_ =	shalt  }
0x64: {  	_ =	shalt  }
0x65: {  	_ =	shalt  }
0x66: {  	_ =	shalt  }
0x67: {  	_ =	shalt  }
0x68: {  	_ =	shalt  }
0x69: {  	_ =	shalt  }
0x6a: {  	_ =	shalt  }
0x6b: {  	_ =	shalt  }
0x6c: {  	_ =	shalt  }
0x6d: {  	_ =	shalt  }
0x6e: {  	_ =	shalt  }
0x6f: {  	_ =	shalt  }
0x70: {  	_ =	shalt  }
0x71: {  	_ =	shalt  }
0x72: {  	_ =	shalt  }
0x73: {  	_ =	shalt  }
0x74: {  	_ =	shalt  }
0x75: {  	_ =	shalt  }
0x76: {  	_ =	shalt  }
0x77: {  	_ =	shalt  }
0x78: {  	_ =	shalt  }
0x79: {  	_ =	shalt  }
0x7a: {  	_ =	shalt  }
0x7b: {  	_ =	shalt  }
0x7c: {  	_ =	shalt  }
0x7d: {  	_ =	shalt  }
0x7e: {  	_ =	shalt  }
0x7f: {  	_ =	shalt  }
0x80: {  	_ =	shalt  }
0x81: {  	_ =	shalt  }
0x82: {  	_ =	shalt  }
0x83: {  	_ =	shalt  }
0x84: {  	_ =	shalt  }
0x85: {  	_ =	shalt  }
0x86: {  	_ =	shalt  }
0x87: {  	_ =	shalt  }
.Lfunc_end0:
.L_simem_size_0:
called_computation_lowered:
.L_overlay_start_0:
0x88: {  	s2 =	sld [smem:$0x3FD9]  }
0x89: {  	s3 =	sld [smem:$0x3FFE];
	_ =	sdelay $0x1  }
0x8a: {  	s1 =	srdreg.scid  }
0x8b: {  	s0 =	sand.u32 $0x1, s1  }
0x8c: {  	s17 =	sshll.u32 s0, $0xA;
	s2 =	sadd.s32 s3, s2  }
0x8d: {  	s2 =	sadd.s32 s2, s17  }
0x8e: {  	[smem:$0x3FBD] =	sst s2  }
0x8f: {  	_ = 	snop  }
0x90: {  	s2 =	sld [smem:$0x3FD0];
	(tm) =	ssettm $0x1  }
0x91: {  	s18 =	sld [smem:$0x3FFB];
	_ =	sdelay $0x3  }
0x92: {  	_ =	strace s18  }
0x93: {  	s3 =	sld [smem:$0x3FFC];
	_ =	sdelay $0x3  }
0x94: {  	_ =	strace s3  }
0x95: {  	s3 =	sld [smem:$0x3FFD];
	_ =	sdelay $0x3  }
0x96: {  	_ =	strace s3  }
0x97: {  	_ =	strace $0x8FFFFFFF  }
0x98: {  	s19 =	sld [smem:$0x3FDB];
	_ =	sdelay $0x1  }
0x99: {  	s4 =	simm.s32 $_scs_section_size  }
0x9a: {  	s5 =	simm.s32 $_size__tile_overlayer_lowered;
	s6 =	simm.s32 $_tile_overlayer_lowered  }
0x9b: {  	s22 =	simm.s32 $0x1BFF;
	s21 =	sshll.u32 s6, $0x1;
	s3 =	sadd.s32 s4, s19  }
0x9c: {  	s7 =	simm.s32 $0x0;
	s20 =	sshll.u32 s5, $0x1;
	s5 =	sadd.s32 s21, s3  }
0x9d: {  	[timem:s7], [sflag:s22] =	dma.local [hbm:s5], s20  }
0x9e: {  	_ =	swait.ge [sflag:s22], s20  }
0x9f: {  	s4 =	ssub.s32 $0x0, s20;
	[sflag:s22] =	ssyncset.done $0x0  }
0xa0: {  	[sflag:s22] =	ssyncadd.s32 s4;
	_ =	sdelay $0x1  }
0xa1: {  	s23 =	simm.s32 $0x1B8B  }
0xa2: {  	_ =	swait.ge [sflag:s23], $0x1  }
0xa3: {  	[sflag:s23] =	ssyncset.done $0x0  }
0xa4: {  	s25 =	simm.s32 $0x1B8E;
	s24 =	sld [smem:$0x3FFE];
	[sflag:s23] =	ssyncadd.s32 $0xFFFFFFFF  }
0xa5: {  	s26 =	simm.s32 $execute0_lowered;
	[smem:$0x3FD2] =	sst s25  }
0xa6: {  	s5 =	sshll.u32 s26, $0x1;
	_ =	strace $0x80000046;
	[dreg:$0x1] =	wrdreg $0xFFFFFFFF  }
0xa7: {  	s28 =	simm.s32 $_size_execute0_lowered;
	s3 =	sadd.s32 s3, s5;
	[dreg:$0x0] =	wrdreg $0x0  }
0xa8: {  	s5 =	sshll.u32 s28, $0x1;
	[dreg:$0x2] =	wrdreg s3  }
0xa9: {  	[dreg:$0x3] =	wrdreg s5  }
0xaa: {  	[dreg:$0x4] =	wrdreg $0xC0  }
0xab: {  	_ =	task [dreg:s7], $0x5FFFF  }
0xac: {  	[dreg:$0x1] =	wrdreg $0xFFFFFFFF  }
0xad: {  	[dreg:$0x0] =	wrdreg $0x60  }
0xae: {  	[dreg:$0x2] =	wrdreg s24  }
0xaf: {  	[dreg:$0x3] =	wrdreg s2  }
0xb0: {  	[dreg:$0x4] =	wrdreg $0xBF800  }
0xb1: {  	[dreg:$0x5] =	wrdreg $0x1FB800  }
0xb2: {  	[dreg:$0x6] =	wrdreg $0x9  }
0xb3: {  	_ =	task.clear_ibuf [dreg:s7], $0x7FFFF;
	_ =	strace $0x90000046  }
0xb4: {  	s29 =	simm.s32 $0x9;
	_ =	strace $0x80000048  }
0xb5: {  	_ =	swait.ge [sflag:s29], $0x1  }
0xb6: {  	[sflag:s29] =	ssyncadd.s32 $0xFFFFFFFF  }
0xb7: {  	_ =	strace $0x90000048  }
0xb8: {  	_ =	sfence  }
0xb9: {  	s30 =	sld [smem:$0x0];
	_ =	sdelay $0x2  }
0xba: {  	s31 =	sshll.u32 s1, $0xD;
	s1 =	sshrl.u32 s1, $0x2  }
0xbb: {  	s3 =	sand.u32 $0x4000, s31;
	s1 =	sadd.s32 s1, s30  }
0xbc: {  	s0 =	sor.u32 s3, s0;
	s1 =	sshll.u32 s1, $0x11  }
0xbd: {  	s0 =	sor.u32 s1, s0  }
0xbe: {  	s0 =	sadd.s32 $0x8F2B, s0  }
0xbf: {  	[sflag:s0] =	ssyncadd.remote.s32 $0x1  }
0xc0: {  	_ =	sfence.sel $0xFFFF  }
0xc1: {  	[dreg:$0x0] =	wrdreg $0xFFFFFFFF;
	(pc) =	sbr.abs _section_cstart, $3  }
0xc2: {  	[dreg:$0x1] =	wrdreg $0xFFFFFFFF  }
0xc3: {  	_ =	task.clear_ibuf [dreg:s7], $0x2FFFF;
	_ =	strace $0x9FFFFFFF  }
0xc4: {  	(tm) =	ssettm $0x7FFFFFFF  }
0xc5: {  	_ =	shalt  }
tec
execute0_lowered:
.L_overlay_start_1:
0x0: {  	(tag) =	ssettag $0x1  }
0x1: {  	s0 =	rddreg [dreg:$0x0]  }
0x2: {  	s1 =	rddreg [dreg:$0x1]  }
0x3: {  	s2 =	rddreg [dreg:$0x2]  }
0x4: {  	s7 =	rddreg [dreg:$0x3];
	s5 =	simm.s32 $0x0;
	s3 =	srdreg.scid  }
0x5: {  	s19 =	stileid.u32;
	s17 =	simm.s32 $0xBF00;
	s28 =	simm.s32 $0x1  }
0x6: {  	s29 =	simm.s32 $0x30;
	s31 =	simm.s32 $0x0;
	s8 =	smul.u32 $0x13C00, s19  }
0x7: {  	[smem:$0x7FF] =	sst s5;
	s3 =	sand.u32 $0x1, s3;
	s11 =	smul.u32 $0xD100, s19  }
0x8: {  	s6 =	sadd.s32 $0x37400, s0;
	s16 =	sadd.s32 $0x3000, s0;
	s12 =	smul.u32 $0x4F000, s19  }
0x9: {  	s9 =	sadd.s32 $0x5EC00, s0;
	s10 =	sshll.u32 s19, $0xA;
	s4 =	smul.u32 $0x13C000, s3  }
0xa: {  	p0 =	sgt.u32 s19, $0x9;
	s30 =	sshll.u32 s19, $0x6;
	s18 =	smul.u32 $0x2800, s3  }
0xb: {  	s19 =	simm.s32 $0x9700;
	s20 =	smul.u32 $0xD1000, s3;
	s3 =	ssub.s32 $0x2, s3  }
0xc: {  	_ =	strace $0x80000047;
	[dreg:$0x5] =	wrdreg s9;
	s21 =	sshrl.u32 s3, $0x1  }
0xd: {  	s22 =	sshrl.u32 s12, $0x2;
	s4 =	sadd.s32 s8, s4;
	s9 =	sadd.s32 s10, s18  }
0xe: {  	s13 =	sadd.s32 s11, s20;
	s3 =	ssub.s32 s3, s21;
	s21 =	sadd.s32 s22, s2  }
0xf: {  	s22 =	sadd.s32 s10, s7;
	s18 =	simm.s32 $0x4;
	s20 =	sor.u32 $0x1C04, s30  }
0x10: {  	s4 =	sshrl.u32 s4, $0x3;
	s9 =	sshrl.u32 s9, $0x3;
	s11 =	sshrl.u32 s13, $0x3  }
0x11: {  	s15 =	sadd.s32 $0x500, s13;
	s21 =	sshrl.u32 s21, $0x3;
	s22 =	sshrl.u32 @!p0 s22, $0x3  }
0x12: {  	s4 =	sadd.s32 s4, s0;
	s0 =	sadd.s32 s9, s0;
	s8 =	sadd.s32 s16, s11  }
0x13: {  	s26 =	sshrl.u32 s15, $0x3;
	s15 =	smax.u32 s3, $0x1;
	s3 =	simm.s32 $0x2  }
.Ltmp0:
0x14: {  	s23 =	sadd.s32 $0x20, s8;
	s24 =	sadd.s32 $0x40, s8;
	(pc) =	sbr.rel .LBB2_1-.Ltmp0, $4  }
0x15: {  	s25 =	sadd.s32 $0x60, s8;
	s12 =	sadd.s32 $0x80, s8;
	[dreg:$0x6] =	wrdreg s23  }
0x16: {  	s13 =	sadd.s32 $0x5F800, s4;
	s14 =	sadd.s32 $0x5EE00, s0;
	[dreg:$0x7] =	wrdreg s24  }
0x17: {  	s0 =	sadd.s32 s26, s16;
	s26 =	simm.s32 $0x3;
	[dreg:$0x8] =	wrdreg s25  }
0x18: {  	s23 =	simm.s32 $0x100;
	s24 =	simm.s32 $0x200;
	s25 =	simm.s32 $0x300  }
.LBB2_7:
0x19: {  	_ =	swait.ge [sflag:s26], $0x1800  }
0x1a: {  	[sflag:s26] =	ssyncset.done $0x0  }
0x1b: {  	[sflag:s26] =	ssyncadd.s32 $0xFFFFE800  }
0x1c: {  	_ =	swait.ge [sflag:s26], $0x1800  }
0x1d: {  	[sflag:s26] =	ssyncset.done $0x0  }
0x1e: {  	[sflag:s26] =	ssyncadd.s32 $0xFFFFE800  }
0x1f: {  	s7 =	simm.s32 $0x50;
	s4 =	rddreg [dreg:$0x3]  }
0x20: {  	[spmem:s4] =	stream.indirect.scatter.add.f32 [tilespmem:s19], [sflag:$0x4], $0x80, s17, s7, $0xb8;
	[tilespmem:$0x1FE00] =	vst v63  }
0x21: {  	_ =	swait.ge [sflag:s18], $0x2800  }
0x22: {  	[sflag:s18] =	ssyncset.done $0x0  }
0x23: {  	[sflag:s18] =	ssyncadd.s32 $0xFFFFD800  }
0x24: {  	[bflag:$0x0] =	sbarrier.arrive $0xFFFF  }
0x25: {  	[hbm:s13], [sflag:s20] =	dma.local [spmem:s21], $0x2780  }
0x26: {  	s31 =	sadd.s32 $0x1, s31;
	_ =	swait.ge [sflag:s18], $0x2780  }
0x27: {  	p1 =	sne.s32 s31, s15;
	[sflag:s18] =	ssyncset.done $0x0  }
.Ltmp1:
0x28: {  	s4 =	simm.s32 @!p0 $0x4;
	[sflag:s18] =	ssyncadd.s32 $0xFFFFD880;
	(pc) =	sbr.rel @!p1 .LBB2_8-.Ltmp1, $4  }
0x29: {  	[hbm:s14], [sflag:s20] =	dma.local @!p0 [spmem:s22], $0x80  }
0x2a: {  	_ =	swait.ge @!p0 [sflag:s4], $0x80  }
0x2b: {  	[sflag:s4] =	ssyncset.done @!p0 $0x0  }
0x2c: {  	[sflag:s4] =	ssyncadd.s32 @!p0 $0xFFFFFF80  }
.LBB2_1:
0x2d: {  	s4 =	rddreg [dreg:$0x5]  }
0x2e: {  	[tilespmem:s17], [sflag:$0x4] =	stream.linear.gather [hbm4b:s4+s5], $0x80, $0x38;
	[tilespmem:$0x1FE00] =	vst v63  }
0x2f: {  	_ =	swait.ge [sflag:s18], $0x80  }
0x30: {  	[sflag:s18] =	ssyncset.done $0x0  }
0x31: {  	[sflag:s18] =	ssyncadd.s32 $0xFFFFFF80  }
0x32: {  	[tilespmem:s19], [sflag:$0x4] =	stream.linear.gather [hbm4b:s1+s5], $0x2800, $0x38;
	[tilespmem:$0x1FE00] =	vst v63  }
0x33: {  	_ =	swait.ge [sflag:s18], $0x2800  }
0x34: {  	[sflag:s18] =	ssyncset.done $0x0  }
0x35: {  	[sflag:s18] =	ssyncadd.s32 $0xFFFFD800  }
0x36: {  	[spmem:s21], [sflag:s20] =	dma.local [hbm:s1], $0x2780  }
0x37: {  	_ =	swait.ge [sflag:s18], $0x2780  }
0x38: {  	[sflag:s18] =	ssyncset.done $0x0  }
0x39: {  	s4 =	simm.s32 @!p0 $0x4;
	[sflag:s18] =	ssyncadd.s32 $0xFFFFD880  }
0x3a: {  	[spmem:s22], [sflag:s20] =	dma.local @!p0 [hbm:s1], $0x80  }
0x3b: {  	_ =	swait.ge @!p0 [sflag:s4], $0x80  }
0x3c: {  	[sflag:s4] =	ssyncset.done @!p0 $0x0  }
0x3d: {  	[sflag:s4] =	ssyncadd.s32 @!p0 $0xFFFFFF80  }
0x3e: {  	[bflag:$0x0] =	sbarrier.arrive $0xFFFF  }
0x3f: {  	[tilespmem:s5], [sflag:$0x1] =	stream.linear.gather [hbm4b:s8+s5], $0x100, $0x38;
	[tilespmem:$0x1FE00] =	vst v63  }
0x40: {  	s16 =	rddreg [dreg:$0x6]  }
0x41: {  	[tilespmem:s23], [sflag:$0x1] =	stream.linear.gather [hbm4b:s16+s5], $0x100, $0x38;
	[tilespmem:$0x1FE00] =	vst v63  }
0x42: {  	s30 =	rddreg [dreg:$0x7]  }
0x43: {  	[tilespmem:s24], [sflag:$0x1] =	stream.linear.gather [hbm4b:s30+s5], $0x100, $0x38;
	[tilespmem:$0x1FE00] =	vst v63  }
0x44: {  	s7 =	rddreg [dreg:$0x8]  }
0x45: {  	[tilespmem:s25], [sflag:$0x1] =	stream.linear.gather [hbm4b:s7+s5], $0x100, $0x38;
	[tilespmem:$0x1FE00] =	vst v63  }
0x46: {  	s9 =	simm.s32 $0x400  }
0x47: {  	[tilespmem:s9], [sflag:$0x1] =	stream.linear.gather [hbm4b:s12+s5], $0x100, $0x38;
	[tilespmem:$0x1FE00] =	vst v63  }
0x48: {  	_ =	swait.ge [sflag:s28], $0x100  }
0x49: {  	[sflag:s28] =	ssyncset.done $0x0  }
0x4a: {  	s10 =	simm.s32 $0x700;
	[sflag:s28] =	ssyncadd.s32 $0xFFFFFF00  }
0x4b: {  	[tilespmem:s10], [sflag:$0x2] =	stream.indirect.gather [hbm4b:s6+s29], $0x80, s5, s29, $0xb8;
	[tilespmem:$0x1FE00] =	vst v63  }
0x4c: {  	_ =	swait.ge [sflag:s28], $0x100  }
0x4d: {  	[sflag:s28] =	ssyncset.done $0x0  }
0x4e: {  	s11 =	simm.s32 $0x1F00;
	[sflag:s28] =	ssyncadd.s32 $0xFFFFFF00  }
0x4f: {  	[tilespmem:s11], [sflag:$0x2] =	stream.indirect.gather [hbm4b:s6+s29], $0x80, s23, s29, $0xb8;
	[tilespmem:$0x1FE00] =	vst v63  }
0x50: {  	_ =	swait.ge [sflag:s28], $0x100  }
0x51: {  	[sflag:s28] =	ssyncset.done $0x0  }
0x52: {  	s16 =	simm.s32 $0x3700;
	[sflag:s28] =	ssyncadd.s32 $0xFFFFFF00  }
0x53: {  	[tilespmem:s16], [sflag:$0x2] =	stream.indirect.gather [hbm4b:s6+s29], $0x80, s24, s29, $0xb8;
	[tilespmem:$0x1FE00] =	vst v63  }
.Ltmp2:
0x54: {  	_ = 	snop;
	(pc) =	sbr.rel .LBB2_2-.Ltmp2, $4  }
0x55: {  	_ =	swait.ge [sflag:s28], $0x100  }
0x56: {  	s4 =	simm.s32 $0x0;
	[sflag:s28] =	ssyncset.done $0x0  }
0x57: {  	s30 =	simm.s32 $0x4F00;
	s16 =	smov.u32 s0;
	[sflag:s28] =	ssyncadd.s32 $0xFFFFFF00  }
0x58: {  	[tilespmem:s30], [sflag:$0x2] =	stream.indirect.gather [hbm4b:s6+s29], $0x80, s25, s29, $0xb8;
	[tilespmem:$0x1FE00] =	vst v63  }
.LBB2_3:
0x59: {  	s7 =	sadd.s32 $0x5, s4  }
0x5a: {  	s9 =	smul.u32 $0x25, s7;
	_ =	sdelay $0x1  }
0x5b: {  	s9 =	sshrl.u32 s9, $0x8  }
0x5c: {  	s10 =	ssub.s32 s7, s9  }
0x5d: {  	s10 =	sand.u32 $0xFE, s10  }
0x5e: {  	s10 =	sshrl.u32 s10, $0x1  }
0x5f: {  	s9 =	sadd.s32 s9, s10  }
0x60: {  	s9 =	sand.u32 $0xFC, s9  }
0x61: {  	s9 =	sshrl.u32 s9, $0x2  }
0x62: {  	s9 =	smul.u32 $0x7, s9;
	_ =	sdelay $0x1  }
0x63: {  	s7 =	ssub.s32 s7, s9  }
0x64: {  	s7 =	sand.u32 $0xFF, s7  }
0x65: {  	s7 =	sshll.u32 s7, $0x8  }
0x66: {  	[tilespmem:s7], [sflag:$0x1] =	stream.linear.gather [hbm4b:s16+s5], $0x100, $0x38;
	[tilespmem:$0x1FE00] =	vst v63  }
.LBB2_5:
0x67: {  	s7 =	sadd.s32 $0x4, s4  }
0x68: {  	s9 =	sand.u32 $0xFF, s7  }
0x69: {  	s10 =	smul.u32 $0x25, s9;
	_ =	sdelay $0x1  }
0x6a: {  	s9 =	smul.u32 $0xAB, s9;
	s10 =	sshrl.u32 s10, $0x8  }
0x6b: {  	s11 =	ssub.s32 s7, s10  }
0x6c: {  	s9 =	sshrl.u32 s9, $0xA;
	s11 =	sand.u32 $0xFE, s11  }
0x6d: {  	s9 =	smul.u32 $0x6, s9;
	s11 =	sshrl.u32 s11, $0x1  }
0x6e: {  	s10 =	sadd.s32 s10, s11  }
0x6f: {  	s9 =	ssub.s32 s7, s9;
	s10 =	sshrl.u32 s10, $0x2  }
0x70: {  	s9 =	sand.u32 $0xFF, s9;
	s10 =	smul.u32 $0x7, s10  }
0x71: {  	s9 =	smul.u32 $0x6000, s9  }
0x72: {  	_ =	swait.ge [sflag:s28], $0x100;
	s7 =	ssub.s32 s7, s10  }
0x73: {  	[sflag:s28] =	ssyncset.done $0x0;
	s9 =	sshrl.u32 s9, $0x2;
	s7 =	sand.u32 $0xFF, s7  }
0x74: {  	[sflag:s28] =	ssyncadd.s32 $0xFFFFFF00;
	s9 =	sor.u32 $0x700, s9;
	s7 =	sshll.u32 s7, $0x8  }
0x75: {  	[tilespmem:s9], [sflag:$0x2] =	stream.indirect.gather [hbm4b:s6+s29], $0x80, s7, s29, $0xb8;
	[tilespmem:$0x1FE00] =	vst v63  }
.LBB2_6:
0x76: {  	v0 =	vld [tilespmem:s30+$0x80];
	_ =	sdelay $0x4  }
0x77: {  	(xrf1) =	vunique.msk.u32 $0xffff, v0;
	_ =	sdelay $0xd  }
0x78: {  	_, v1, vm0 =	vpop (xrf1);
	_ =	sdelay $0x3  }
0x79: {  	v1 =	vcvt.s32.f32 v1;
	_ =	sdelay $0x1  }
0x7a: {  	[tilespmem:v0+s19+$0x0] =	vst.idx.add.f32.msk vm0, v1  }
0x7b: {  	v0 =	vld [tilespmem:s30+$0x90];
	_ =	sdelay $0x4  }
0x7c: {  	(xrf1) =	vunique.msk.u32 $0xffff, v0;
	_ =	sdelay $0xd  }
0x7d: {  	_, v1, vm0 =	vpop (xrf1);
	_ =	sdelay $0x3  }
0x7e: {  	v1 =	vcvt.s32.f32 v1;
	_ =	sdelay $0x1  }
0x7f: {  	[tilespmem:v0+s19+$0x0] =	vst.idx.add.f32.msk vm0, v1  }
0x80: {  	v0 =	vld [tilespmem:s30+$0xA0];
	_ =	sdelay $0x4  }
0x81: {  	(xrf1) =	vunique.msk.u32 $0xffff, v0;
	_ =	sdelay $0xd  }
0x82: {  	s4 =	sadd.s32 $0x1, s4;
	_, v1, vm0 =	vpop (xrf1)  }
0x83: {  	p1 =	sne.s32 s4, $0xD1  }
.Ltmp3:
0x84: {  	_ = 	snop;
	(pc) =	sbr.rel @!p1 .LBB2_7-.Ltmp3, $3  }
0x85: {  	_ = 	snop  }
0x86: {  	v1 =	vcvt.s32.f32 v1;
	_ =	sdelay $0x1  }
0x87: {  	s16 =	sadd.s32 $0x20, s16;
	[tilespmem:v0+s19+$0x0] =	vst.idx.add.f32.msk vm0, v1  }
.LBB2_2:
0x88: {  	s30 =	smul.u32 $0x25, s4;
	_ =	sdelay $0x1  }
0x89: {  	s30 =	sshrl.u32 s30, $0x8  }
0x8a: {  	s7 =	smul.u32 $0xAB, s4;
	s9 =	ssub.s32 s4, s30  }
0x8b: {  	s9 =	sand.u32 $0xFE, s9  }
0x8c: {  	s7 =	sshrl.u32 s7, $0xA;
	s9 =	sshrl.u32 s9, $0x1  }
0x8d: {  	s7 =	sand.u32 $0x3F, s7;
	s9 =	sadd.s32 s30, s9  }
0x8e: {  	s7 =	smul.u32 $0x6, s7;
	s9 =	sand.u32 $0xFC, s9  }
0x8f: {  	s9 =	sshrl.u32 s9, $0x2  }
0x90: {  	s7 =	ssub.s32 s4, s7;
	s9 =	smul.u32 $0x7, s9  }
0x91: {  	_ =	swait.ge [sflag:s3], $0x1800;
	s7 =	sand.u32 $0xFF, s7  }
0x92: {  	p1 =	slt.u32 s4, $0x2;
	s7 =	smul.u32 $0x6000, s7;
	s9 =	ssub.s32 s4, s9  }
0x93: {  	[sflag:s3] =	ssyncset.done $0x0;
	p2 =	sgt.u32 @!p1 s4, $0xCB;
	s9 =	sand.u32 $0xFF, s9  }
0x94: {  	[sflag:s3] =	ssyncadd.s32 $0xFFFFE800;
	s7 =	sshrl.u32 s7, $0x2;
	s30 =	sshll.u32 s9, $0x8  }
0x95: {  	p2 =	por p1, !p2;
	s7 =	sor.u32 $0x700, s7;
	s9 =	sor.u32 $0x80, s30  }
0x96: {  	[spmem:s2] =	stream.indirect.scatter.add.f32 [tilespmem:s7], [sflag:$0x3], $0x80, s9, s29, $0xb8;
	[tilespmem:$0x1FE00] =	vst v63  }
.Ltmp4:
0x97: {  	_ = 	snop;
	(pc) =	sbr.rel @p2 .LBB2_3-.Ltmp4, $4  }
0x98: {  	s7 =	simm.s32 @!p1 $0x3  }
0x99: {  	_ =	swait.ge @!p1 [sflag:s7], $0x1800  }
0x9a: {  	[sflag:s7] =	ssyncset.done @!p1 $0x0  }
0x9b: {  	[sflag:s7] =	ssyncadd.s32 @!p1 $0xFFFFE800  }
0x9c: {  	p1 =	sne.s32 s4, $0xCC  }
.Ltmp5:
0x9d: {  	_ = 	snop;
	(pc) =	sbr.rel @p1 .LBB2_6-.Ltmp5, $4  }
.Ltmp6:
0x9e: {  	_ = 	snop;
	(pc) =	sbr.rel @!p1 .LBB2_5-.Ltmp6, $4  }
0x9f: {  	_ = 	snop  }
0xa0: {  	_ = 	snop  }
0xa1: {  	_ = 	snop  }
0xa2: {  	_ = 	snop  }
.LBB2_8:
0xa3: {  	_ =	sfence.sel $0x180000  }
0xa4: {  	[bflag:$0x0] =	sbarrier.arrive $0xFFFF  }
0xa5: {  	_ =	strace $0x90000047  }
0xa6: {  	s0 =	stileid.u32;
	[bflag:$0x2] =	sbarrier.arrive $0xFFFF  }
0xa7: {  	p0 =	sne.s32 s0, $0x0;
	s0 =	rddreg [dreg:$0x4]  }
0xa8: {  	s0 =	sadd.s32 @!p0 $0x100000, s0  }
0xa9: {  	[sflag:s0] =	ssyncadd.tile.s32 @!p0 $0x1;
	_ =	shalt  }
.Lfunc_end2:
_tile_overlayer_lowered:
.L_overlay_start_2:
0xaa: {  	(tag) =	ssettag $0x2  }
0xab: {  	s0 =	rddreg [dreg:$0x0];
	s2 =	stileid.u32  }
0xac: {  	s1 =	rddreg [dreg:$0x1];
	p0 =	sne.s32 s2, $0x0  }
0xad: {  	s3 =	rddreg [dreg:$0x2];
	[bflag:$0x3] =	sbarrier.arrive $0xFFFF;
	s2 =	simm.s32 @!p0 $0x1C04  }
0xae: {  	[timem:s3], [sflag:s2] =	dma.local @!p0 [hbm:s0], s1  }
0xaf: {  	s0 =	simm.s32 @!p0 $0x4  }
0xb0: {  	_ =	swait.ge @!p0 [sflag:s0], s1  }
0xb1: {  	s1 =	ssub.s32 @!p0 $0x0, s1;
	[sflag:s0] =	ssyncset.done @!p0 $0x0  }
0xb2: {  	[sflag:s0] =	ssyncadd.s32 @!p0 s1  }
0xb3: {  	[bflag:$0x3] =	sbarrier.arrive $0xFFFF  }
0xb4: {  	_ =	shalt  }

// kernel: gcn_sc_prop2.3.cloned.1.call-start
scs
__scs_entry_jumppad:
0x0: {  	(pc) =	sbr.rel $0x88, $3  }
0x1: {  	(tag) =	ssettag $0x0;
	lr =	simm.s32 $0x1  }
0x2: {  	[smem:$0x3F96] =	sst lr;
	_ =	strace $0xD0000000  }
0x3: {  	_ = 	snop  }
0x4: {  	_ = 	snop  }
0x5: {  	_ = 	snop  }
0x6: {  	_ = 	snop  }
0x7: {  	_ = 	snop  }
__scs_overlays_trampoline_lowered:
0x8: {  	[smem:$0x3FA5] =	sst s0  }
0x9: {  	[smem:$0x3FA6] =	sst s1  }
0xa: {  	[smem:$0x3FA7] =	sst s2  }
0xb: {  	[smem:$0x3FA8] =	sst s3  }
0xc: {  	[smem:$0x3FA9] =	sst s4  }
0xd: {  	[smem:$0x3FAA] =	sst s5  }
0xe: {  	[smem:$0x3FAB] =	sst s6  }
0xf: {  	[smem:$0x3FAC] =	sst s7  }
0x10: {  	[smem:$0x3FAD] =	sst s8  }
0x11: {  	[smem:$0x3FAE] =	sst s9;
	s0 =	simm.s32 @!p0 $0x0  }
0x12: {  	s1 =	sld [smem:$0x3F94];
	s0 =	simm.s32 @p0 $0x1  }
0x13: {  	[smem:$0x3FAF] =	sst s0;
	s0 =	simm.s32 @!p1 $0x0  }
0x14: {  	s2 =	sld [smem:$0x3F93];
	s0 =	simm.s32 @p1 $0x1  }
0x15: {  	[smem:$0x3FB0] =	sst s0;
	s0 =	simm.s32 @!p2 $0x0  }
0x16: {  	s3 =	sld [smem:$0x3FDB];
	s0 =	simm.s32 @p2 $0x1  }
0x17: {  	s4 =	simm.s32 $0x1BF5;
	[smem:$0x3FB2] =	sst s0  }
0x18: {  	s0 =	sld [smem:$0x3F95];
	_ =	swait.ge [sflag:s4], $0x0  }
0x19: {  	s7 =	sld [smem:$0x3F96]  }
0x1a: {  	s8 =	sadd.s32 $0xFFFFE003, lr  }
0x1b: {  	s9 =	sadd.s32 $0xFFFFFEF7, lr;
	s5 =	simm.s32 $0xFFFFFFFF;
	p2 =	slt.u32 s8, $0xFFFFF086  }
0x1c: {  	p1 =	slt.u32 s9, $0xF7A;
	s5 =	simm.s32 @!p2 $0x0  }
0x1d: {  	s5 =	simm.s32 @p1 $0x1;
	p0 =	seq.s32 s7, s2  }
0x1e: {  	s7 =	smul.u32 @!p0 $0xF7A, s2;
	p2 =	seq.s32 @!p0 s5, $0x0  }
0x1f: {  	s9 =	smul.u32 $0xF7A, s1;
	s8 =	simm.s32 @!p0 $0x1BF5;
	p2 =	por !p2, p0  }
0x20: {  	[sflag:s8] =	ssyncset.s32 @!p0 $0xFFFFF086;
	s6 =	sadd.s32 @!p0 s3, s7;
	s7 =	simm.s32 @!p0 $0x108  }
0x21: {  	s3 =	sadd.s32 s3, s9;
	s6 =	sadd.s32 @!p0 $0x88, s6;
	s7 =	simm.s32 @p2 $0x1082  }
0x22: {  	[simem:s7], [sflag:s8] =	dma.local @!p0 [hbm:s6], $0xF7A  }
0x23: {  	s9 =	sor.u32 $0xD0000000, s2;
	s6 =	simm.s32 $0x108;
	_ =	swait.ge @!p0 [sflag:s8], $0x0  }
0x24: {  	s3 =	sadd.s32 $0x88, s3;
	s6 =	simm.s32 @!p1 $0x1082;
	[sflag:s4] =	ssyncset.s32 $0xFFFFF086  }
0x25: {  	[simem:s6], [sflag:s4] =	dma.local [hbm:s3], $0xF7A  }
0x26: {  	[smem:$0x3F96] =	sst s1;
	(tag) =	ssettag s2;
	_ =	strace s9  }
0x27: {  	s1 =	sld [smem:$0x3FA6]  }
0x28: {  	s2 =	sld [smem:$0x3FA7]  }
0x29: {  	s4 =	sld [smem:$0x3FA9]  }
0x2a: {  	p0 =	seq.s32 s5, $0x0;
	s5 =	sld [smem:$0x3FAA]  }
0x2b: {  	s6 =	sld [smem:$0x3FAB]  }
0x2c: {  	s7 =	sld [smem:$0x3FAC]  }
0x2d: {  	s3 =	simm.s32 $0x108;
	s8 =	sld [smem:$0x3FAD]  }
0x2e: {  	s3 =	simm.s32 @!p0 $0x1082;
	s9 =	sld [smem:$0x3FAE]  }
0x2f: {  	lr =	sadd.s32 s0, s3;
	s0 =	sld [smem:$0x3FA5]  }
0x30: {  	s3 =	sld [smem:$0x3FA8]  }
0x31: {  	[smem:$0x3FB1] =	sst s10  }
0x32: {  	s10 =	sld [smem:$0x3FAF];
	_ =	sdelay $0x3  }
0x33: {  	p0 =	seq.s32 s10, $0x1;
	s10 =	sld [smem:$0x3FB1];
	_ =	sdelay $0x3  }
0x34: {  	[smem:$0x3FB1] =	sst s10  }
0x35: {  	s10 =	sld [smem:$0x3FB0];
	_ =	sdelay $0x3  }
0x36: {  	p1 =	seq.s32 s10, $0x1;
	s10 =	sld [smem:$0x3FB1];
	_ =	sdelay $0x3  }
0x37: {  	[smem:$0x3FB1] =	sst s10  }
0x38: {  	s10 =	sld [smem:$0x3FB2]  }
0x39: {  	_ = 	snop;
	(pc) =	sbr.ind lr, $3  }
0x3a: {  	_ = 	snop  }
0x3b: {  	_ = 	snop  }
0x3c: {  	p2 =	seq.s32 s10, $0x1;
	s10 =	sld [smem:$0x3FB1]  }
0x3d: {  	_ =	shalt  }
0x3e: {  	_ =	shalt  }
0x3f: {  	_ =	shalt  }
0x40: {  	_ =	shalt  }
0x41: {  	_ =	shalt  }
0x42: {  	_ =	shalt  }
0x43: {  	_ =	shalt  }
0x44: {  	_ =	shalt  }
0x45: {  	_ =	shalt  }
0x46: {  	_ =	shalt  }
0x47: {  	_ =	shalt  }
0x48: {  	_ =	shalt  }
0x49: {  	_ =	shalt  }
0x4a: {  	_ =	shalt  }
0x4b: {  	_ =	shalt  }
0x4c: {  	_ =	shalt  }
0x4d: {  	_ =	shalt  }
0x4e: {  	_ =	shalt  }
0x4f: {  	_ =	shalt  }
0x50: {  	_ =	shalt  }
0x51: {  	_ =	shalt  }
0x52: {  	_ =	shalt  }
0x53: {  	_ =	shalt  }
0x54: {  	_ =	shalt  }
0x55: {  	_ =	shalt  }
0x56: {  	_ =	shalt  }
0x57: {  	_ =	shalt  }
0x58: {  	_ =	shalt  }
0x59: {  	_ =	shalt  }
0x5a: {  	_ =	shalt  }
0x5b: {  	_ =	shalt  }
0x5c: {  	_ =	shalt  }
0x5d: {  	_ =	shalt  }
0x5e: {  	_ =	shalt  }
0x5f: {  	_ =	shalt  }
0x60: {  	_ =	shalt  }
0x61: {  	_ =	shalt  }
0x62: {  	_ =	shalt  }
0x63: {  	_ =	shalt  }
0x64: {  	_ =	shalt  }
0x65: {  	_ =	shalt  }
0x66: {  	_ =	shalt  }
0x67: {  	_ =	shalt  }
0x68: {  	_ =	shalt  }
0x69: {  	_ =	shalt  }
0x6a: {  	_ =	shalt  }
0x6b: {  	_ =	shalt  }
0x6c: {  	_ =	shalt  }
0x6d: {  	_ =	shalt  }
0x6e: {  	_ =	shalt  }
0x6f: {  	_ =	shalt  }
0x70: {  	_ =	shalt  }
0x71: {  	_ =	shalt  }
0x72: {  	_ =	shalt  }
0x73: {  	_ =	shalt  }
0x74: {  	_ =	shalt  }
0x75: {  	_ =	shalt  }
0x76: {  	_ =	shalt  }
0x77: {  	_ =	shalt  }
0x78: {  	_ =	shalt  }
0x79: {  	_ =	shalt  }
0x7a: {  	_ =	shalt  }
0x7b: {  	_ =	shalt  }
0x7c: {  	_ =	shalt  }
0x7d: {  	_ =	shalt  }
0x7e: {  	_ =	shalt  }
0x7f: {  	_ =	shalt  }
0x80: {  	_ =	shalt  }
0x81: {  	_ =	shalt  }
0x82: {  	_ =	shalt  }
0x83: {  	_ =	shalt  }
0x84: {  	_ =	shalt  }
0x85: {  	_ =	shalt  }
0x86: {  	_ =	shalt  }
0x87: {  	_ =	shalt  }
.Lfunc_end0:
.L_simem_size_0:
called_computation.1_lowered:
.L_overlay_start_0:
0x88: {  	s2 =	sld [smem:$0x3FD9]  }
0x89: {  	s3 =	sld [smem:$0x3FFE];
	_ =	sdelay $0x1  }
0x8a: {  	s1 =	srdreg.scid  }
0x8b: {  	s0 =	sand.u32 $0x1, s1  }
0x8c: {  	s17 =	sshll.u32 s0, $0xA;
	s2 =	sadd.s32 s3, s2  }
0x8d: {  	s2 =	sadd.s32 s2, s17  }
0x8e: {  	[smem:$0x3FBD] =	sst s2  }
0x8f: {  	_ = 	snop  }
0x90: {  	s2 =	sld [smem:$0x3FD0];
	(tm) =	ssettm $0x1  }
0x91: {  	s18 =	sld [smem:$0x3FFB];
	_ =	sdelay $0x3  }
0x92: {  	_ =	strace s18  }
0x93: {  	s3 =	sld [smem:$0x3FFC];
	_ =	sdelay $0x3  }
0x94: {  	_ =	strace s3  }
0x95: {  	s3 =	sld [smem:$0x3FFD];
	_ =	sdelay $0x3  }
0x96: {  	_ =	strace s3  }
0x97: {  	_ =	strace $0x8FFFFFFF  }
0x98: {  	s19 =	sld [smem:$0x3FDB];
	_ =	sdelay $0x1  }
0x99: {  	s4 =	simm.s32 $_scs_section_size  }
0x9a: {  	s5 =	simm.s32 $_size__tile_overlayer_lowered;
	s6 =	simm.s32 $_tile_overlayer_lowered  }
0x9b: {  	s22 =	simm.s32 $0x1BFF;
	s21 =	sshll.u32 s6, $0x1;
	s3 =	sadd.s32 s4, s19  }
0x9c: {  	s7 =	simm.s32 $0x0;
	s20 =	sshll.u32 s5, $0x1;
	s5 =	sadd.s32 s21, s3  }
0x9d: {  	[timem:s7], [sflag:s22] =	dma.local [hbm:s5], s20  }
0x9e: {  	_ =	swait.ge [sflag:s22], s20  }
0x9f: {  	s4 =	ssub.s32 $0x0, s20;
	[sflag:s22] =	ssyncset.done $0x0  }
0xa0: {  	[sflag:s22] =	ssyncadd.s32 s4;
	_ =	sdelay $0x1  }
0xa1: {  	s23 =	simm.s32 $0x1B8B  }
0xa2: {  	_ =	swait.ge [sflag:s23], $0x1  }
0xa3: {  	[sflag:s23] =	ssyncset.done $0x0  }
0xa4: {  	s25 =	simm.s32 $0x1B8E;
	s24 =	sld [smem:$0x3FFE];
	[sflag:s23] =	ssyncadd.s32 $0xFFFFFFFF  }
0xa5: {  	s26 =	simm.s32 $execute0_lowered;
	[smem:$0x3FD2] =	sst s25  }
0xa6: {  	s5 =	sshll.u32 s26, $0x1;
	_ =	strace $0x80000049;
	[dreg:$0x1] =	wrdreg $0xFFFFFFFF  }
0xa7: {  	s28 =	simm.s32 $_size_execute0_lowered;
	s3 =	sadd.s32 s3, s5;
	[dreg:$0x0] =	wrdreg $0x0  }
0xa8: {  	s5 =	sshll.u32 s28, $0x1;
	[dreg:$0x2] =	wrdreg s3  }
0xa9: {  	[dreg:$0x3] =	wrdreg s5  }
0xaa: {  	[dreg:$0x4] =	wrdreg $0xC0  }
0xab: {  	_ =	task [dreg:s7], $0x5FFFF  }
0xac: {  	[dreg:$0x1] =	wrdreg $0xFFFFFFFF  }
0xad: {  	[dreg:$0x0] =	wrdreg $0x60  }
0xae: {  	[dreg:$0x2] =	wrdreg s24  }
0xaf: {  	[dreg:$0x3] =	wrdreg s2  }
0xb0: {  	[dreg:$0x4] =	wrdreg $0xBF800  }
0xb1: {  	[dreg:$0x5] =	wrdreg $0x1FB800  }
0xb2: {  	[dreg:$0x6] =	wrdreg $0x9  }
0xb3: {  	_ =	task.clear_ibuf [dreg:s7], $0x7FFFF;
	_ =	strace $0x90000049  }
0xb4: {  	s29 =	simm.s32 $0x9;
	_ =	strace $0x8000004B  }
0xb5: {  	_ =	swait.ge [sflag:s29], $0x1  }
0xb6: {  	[sflag:s29] =	ssyncadd.s32 $0xFFFFFFFF  }
0xb7: {  	_ =	strace $0x9000004B  }
0xb8: {  	_ =	sfence  }
0xb9: {  	s30 =	sld [smem:$0x0];
	_ =	sdelay $0x2  }
0xba: {  	s31 =	sshll.u32 s1, $0xD;
	s1 =	sshrl.u32 s1, $0x2  }
0xbb: {  	s3 =	sand.u32 $0x4000, s31;
	s1 =	sadd.s32 s1, s30  }
0xbc: {  	s0 =	sor.u32 s3, s0;
	s1 =	sshll.u32 s1, $0x11  }
0xbd: {  	s0 =	sor.u32 s1, s0  }
0xbe: {  	s0 =	sadd.s32 $0x8F2B, s0  }
0xbf: {  	[sflag:s0] =	ssyncadd.remote.s32 $0x1  }
0xc0: {  	_ =	sfence.sel $0xFFFF  }
0xc1: {  	[dreg:$0x0] =	wrdreg $0xFFFFFFFF;
	(pc) =	sbr.abs _section_cstart, $3  }
0xc2: {  	[dreg:$0x1] =	wrdreg $0xFFFFFFFF  }
0xc3: {  	_ =	task.clear_ibuf [dreg:s7], $0x2FFFF;
	_ =	strace $0x9FFFFFFF  }
0xc4: {  	(tm) =	ssettm $0x7FFFFFFF  }
0xc5: {  	_ =	shalt  }
tec
execute0_lowered:
.L_overlay_start_1:
0x0: {  	(tag) =	ssettag $0x1  }
0x1: {  	s0 =	rddreg [dreg:$0x0]  }
0x2: {  	s1 =	rddreg [dreg:$0x1]  }
0x3: {  	s2 =	rddreg [dreg:$0x2]  }
0x4: {  	s7 =	rddreg [dreg:$0x3];
	s3 =	srdreg.scid;
	s5 =	simm.s32 $0x0  }
0x5: {  	s20 =	stileid.u32;
	s17 =	simm.s32 $0xBF00;
	s18 =	simm.s32 $0x4  }
0x6: {  	s19 =	simm.s32 $0x9700;
	s28 =	simm.s32 $0x1;
	s29 =	simm.s32 $0x30  }
0x7: {  	s30 =	simm.s32 $0x3;
	s3 =	sand.u32 $0x1, s3;
	s8 =	smul.u32 $0x13C00, s20  }
0x8: {  	[smem:$0x7FF] =	sst s5;
	s6 =	sadd.s32 $0x37400, s0;
	s11 =	smul.u32 $0xD100, s20  }
0x9: {  	s16 =	sadd.s32 $0x3000, s0;
	s9 =	sadd.s32 $0x5EC00, s0;
	s12 =	smul.u32 $0x4F000, s20  }
0xa: {  	s22 =	sshll.u32 s20, $0xA;
	p0 =	sgt.u32 s20, $0x9;
	s4 =	smul.u32 $0x13C000, s3  }
0xb: {  	s31 =	sshll.u32 s20, $0x6;
	_ =	strace $0x8000004A;
	s21 =	smul.u32 $0x2800, s3  }
0xc: {  	[dreg:$0x5] =	wrdreg s9;
	s10 =	smul.u32 $0xD1000, s3;
	s3 =	ssub.s32 $0x2, s3  }
0xd: {  	s20 =	sor.u32 $0x1C04, s31;
	s23 =	sshrl.u32 s3, $0x1;
	s24 =	sshrl.u32 s12, $0x2  }
0xe: {  	s4 =	sadd.s32 s8, s4;
	s8 =	sadd.s32 s22, s21;
	s14 =	sadd.s32 s11, s10  }
0xf: {  	s3 =	ssub.s32 s3, s23;
	s21 =	sadd.s32 s24, s2;
	s22 =	sadd.s32 s22, s7  }
0x10: {  	s4 =	sshrl.u32 s4, $0x3;
	s8 =	sshrl.u32 s8, $0x3;
	s10 =	sshrl.u32 s14, $0x3  }
0x11: {  	s25 =	sadd.s32 $0x500, s14;
	s15 =	smax.u32 s3, $0x1;
	s21 =	sshrl.u32 s21, $0x3  }
.Ltmp0:
0x12: {  	s22 =	sshrl.u32 @!p0 s22, $0x3;
	s4 =	sadd.s32 s4, s0;
	(pc) =	sbr.rel .LBB2_1-.Ltmp0, $4  }
0x13: {  	s0 =	sadd.s32 s8, s0;
	s8 =	sadd.s32 s16, s10;
	s26 =	sshrl.u32 s25, $0x3  }
0x14: {  	s9 =	sadd.s32 $0x20, s8;
	s10 =	sadd.s32 $0x40, s8;
	s11 =	sadd.s32 $0x60, s8  }
0x15: {  	s12 =	sadd.s32 $0x80, s8;
	s13 =	sadd.s32 $0x5F800, s4;
	s14 =	sadd.s32 $0x5EE00, s0  }
0x16: {  	s4 =	sadd.s32 s26, s16;
	s26 =	simm.s32 $0x2;
	s0 =	simm.s32 $0x0  }
.LBB2_7:
0x17: {  	_ =	swait.ge [sflag:s30], $0x1800  }
0x18: {  	[sflag:s30] =	ssyncset.done $0x0  }
0x19: {  	[sflag:s30] =	ssyncadd.s32 $0xFFFFE800  }
0x1a: {  	_ =	swait.ge [sflag:s30], $0x1800  }
0x1b: {  	[sflag:s30] =	ssyncset.done $0x0  }
0x1c: {  	[sflag:s30] =	ssyncadd.s32 $0xFFFFE800  }
0x1d: {  	s7 =	simm.s32 $0x50;
	s3 =	rddreg [dreg:$0x3]  }
0x1e: {  	[spmem:s3] =	stream.indirect.scatter.add.f32 [tilespmem:s19], [sflag:$0x4], $0x80, s17, s7, $0xb8;
	[tilespmem:$0x1FE00] =	vst v63  }
0x1f: {  	_ =	swait.ge [sflag:s18], $0x2800  }
0x20: {  	[sflag:s18] =	ssyncset.done $0x0  }
0x21: {  	[sflag:s18] =	ssyncadd.s32 $0xFFFFD800  }
0x22: {  	[bflag:$0x0] =	sbarrier.arrive $0xFFFF  }
0x23: {  	[hbm:s13], [sflag:s20] =	dma.local [spmem:s21], $0x2780  }
0x24: {  	s0 =	sadd.s32 $0x1, s0;
	_ =	swait.ge [sflag:s18], $0x2780  }
0x25: {  	p1 =	sne.s32 s0, s15;
	[sflag:s18] =	ssyncset.done $0x0  }
.Ltmp1:
0x26: {  	s3 =	simm.s32 @!p0 $0x4;
	[sflag:s18] =	ssyncadd.s32 $0xFFFFD880;
	(pc) =	sbr.rel @!p1 .LBB2_8-.Ltmp1, $4  }
0x27: {  	[hbm:s14], [sflag:s20] =	dma.local @!p0 [spmem:s22], $0x80  }
0x28: {  	_ =	swait.ge @!p0 [sflag:s3], $0x80  }
0x29: {  	[sflag:s3] =	ssyncset.done @!p0 $0x0  }
0x2a: {  	[sflag:s3] =	ssyncadd.s32 @!p0 $0xFFFFFF80  }
.LBB2_1:
0x2b: {  	s3 =	rddreg [dreg:$0x5]  }
0x2c: {  	[tilespmem:s17], [sflag:$0x4] =	stream.linear.gather [hbm4b:s3+s5], $0x80, $0x38;
	[tilespmem:$0x1FE00] =	vst v63  }
0x2d: {  	_ =	swait.ge [sflag:s18], $0x80  }
0x2e: {  	[sflag:s18] =	ssyncset.done $0x0  }
0x2f: {  	[sflag:s18] =	ssyncadd.s32 $0xFFFFFF80  }
0x30: {  	[tilespmem:s19], [sflag:$0x4] =	stream.linear.gather [hbm4b:s1+s5], $0x2800, $0x38;
	[tilespmem:$0x1FE00] =	vst v63  }
0x31: {  	_ =	swait.ge [sflag:s18], $0x2800  }
0x32: {  	[sflag:s18] =	ssyncset.done $0x0  }
0x33: {  	[sflag:s18] =	ssyncadd.s32 $0xFFFFD800  }
0x34: {  	[spmem:s21], [sflag:s20] =	dma.local [hbm:s1], $0x2780  }
0x35: {  	_ =	swait.ge [sflag:s18], $0x2780  }
0x36: {  	[sflag:s18] =	ssyncset.done $0x0  }
0x37: {  	s3 =	simm.s32 @!p0 $0x4;
	[sflag:s18] =	ssyncadd.s32 $0xFFFFD880  }
0x38: {  	[spmem:s22], [sflag:s20] =	dma.local @!p0 [hbm:s1], $0x80  }
0x39: {  	_ =	swait.ge @!p0 [sflag:s3], $0x80  }
0x3a: {  	[sflag:s3] =	ssyncset.done @!p0 $0x0  }
0x3b: {  	[sflag:s3] =	ssyncadd.s32 @!p0 $0xFFFFFF80  }
0x3c: {  	[bflag:$0x0] =	sbarrier.arrive $0xFFFF  }
0x3d: {  	[tilespmem:s5], [sflag:$0x1] =	stream.linear.gather [hbm4b:s8+s5], $0x100, $0x38;
	[tilespmem:$0x1FE00] =	vst v63  }
0x3e: {  	s16 =	simm.s32 $0x100  }
0x3f: {  	[tilespmem:s16], [sflag:$0x1] =	stream.linear.gather [hbm4b:s9+s5], $0x100, $0x38;
	[tilespmem:$0x1FE00] =	vst v63  }
0x40: {  	s23 =	simm.s32 $0x200  }
0x41: {  	[tilespmem:s23], [sflag:$0x1] =	stream.linear.gather [hbm4b:s10+s5], $0x100, $0x38;
	[tilespmem:$0x1FE00] =	vst v63  }
0x42: {  	s24 =	simm.s32 $0x300  }
0x43: {  	[tilespmem:s24], [sflag:$0x1] =	stream.linear.gather [hbm4b:s11+s5], $0x100, $0x38;
	[tilespmem:$0x1FE00] =	vst v63  }
0x44: {  	s25 =	simm.s32 $0x400  }
0x45: {  	[tilespmem:s25], [sflag:$0x1] =	stream.linear.gather [hbm4b:s12+s5], $0x100, $0x38;
	[tilespmem:$0x1FE00] =	vst v63  }
0x46: {  	_ =	swait.ge [sflag:s28], $0x100  }
0x47: {  	[sflag:s28] =	ssyncset.done $0x0  }
0x48: {  	s31 =	simm.s32 $0x80;
	s7 =	simm.s32 $0x700;
	[sflag:s28] =	ssyncadd.s32 $0xFFFFFF00  }
0x49: {  	[tilespmem:s7], [sflag:$0x2] =	stream.indirect.gather [hbm4b:s6+s29], $0x80, s31, s29, $0xb8;
	[tilespmem:$0x1FE00] =	vst v63  }
0x4a: {  	_ =	swait.ge [sflag:s28], $0x100  }
0x4b: {  	[sflag:s28] =	ssyncset.done $0x0  }
0x4c: {  	s16 =	simm.s32 $0x1F00;
	s7 =	simm.s32 $0x180;
	[sflag:s28] =	ssyncadd.s32 $0xFFFFFF00  }
0x4d: {  	[tilespmem:s16], [sflag:$0x2] =	stream.indirect.gather [hbm4b:s6+s29], $0x80, s7, s29, $0xb8;
	[tilespmem:$0x1FE00] =	vst v63  }
0x4e: {  	_ =	swait.ge [sflag:s28], $0x100  }
0x4f: {  	[sflag:s28] =	ssyncset.done $0x0  }
0x50: {  	s23 =	simm.s32 $0x280;
	s24 =	simm.s32 $0x3700;
	[sflag:s28] =	ssyncadd.s32 $0xFFFFFF00  }
0x51: {  	[tilespmem:s24], [sflag:$0x2] =	stream.indirect.gather [hbm4b:s6+s29], $0x80, s23, s29, $0xb8;
	[tilespmem:$0x1FE00] =	vst v63  }
.Ltmp2:
0x52: {  	_ = 	snop;
	(pc) =	sbr.rel .LBB2_2-.Ltmp2, $4  }
0x53: {  	_ =	swait.ge [sflag:s28], $0x100  }
0x54: {  	s3 =	simm.s32 $0x0;
	s25 =	simm.s32 $0x380;
	[sflag:s28] =	ssyncset.done $0x0  }
0x55: {  	s31 =	simm.s32 $0x4F00;
	s16 =	smov.u32 s4;
	[sflag:s28] =	ssyncadd.s32 $0xFFFFFF00  }
0x56: {  	[tilespmem:s31], [sflag:$0x2] =	stream.indirect.gather [hbm4b:s6+s29], $0x80, s25, s29, $0xb8;
	[tilespmem:$0x1FE00] =	vst v63  }
.LBB2_3:
0x57: {  	s24 =	sadd.s32 $0x5, s3  }
0x58: {  	s25 =	smul.u32 $0x25, s24;
	_ =	sdelay $0x1  }
0x59: {  	s25 =	sshrl.u32 s25, $0x8  }
0x5a: {  	s31 =	ssub.s32 s24, s25  }
0x5b: {  	s31 =	sand.u32 $0xFE, s31  }
0x5c: {  	s31 =	sshrl.u32 s31, $0x1  }
0x5d: {  	s25 =	sadd.s32 s25, s31  }
0x5e: {  	s25 =	sand.u32 $0xFC, s25  }
0x5f: {  	s25 =	sshrl.u32 s25, $0x2  }
0x60: {  	s25 =	smul.u32 $0x7, s25;
	_ =	sdelay $0x1  }
0x61: {  	s24 =	ssub.s32 s24, s25  }
0x62: {  	s24 =	sand.u32 $0xFF, s24  }
0x63: {  	s24 =	sshll.u32 s24, $0x8  }
0x64: {  	[tilespmem:s24], [sflag:$0x1] =	stream.linear.gather [hbm4b:s16+s5], $0x100, $0x38;
	[tilespmem:$0x1FE00] =	vst v63  }
.LBB2_5:
0x65: {  	s24 =	sadd.s32 $0x4, s3  }
0x66: {  	s25 =	sand.u32 $0xFF, s24  }
0x67: {  	s31 =	smul.u32 $0x25, s25;
	_ =	sdelay $0x1  }
0x68: {  	s31 =	sshrl.u32 s31, $0x8  }
0x69: {  	s25 =	smul.u32 $0xAB, s25;
	s7 =	ssub.s32 s24, s31  }
0x6a: {  	s7 =	sand.u32 $0xFE, s7  }
0x6b: {  	s25 =	sshrl.u32 s25, $0xA;
	s7 =	sshrl.u32 s7, $0x1  }
0x6c: {  	s25 =	smul.u32 $0x6, s25;
	s7 =	sadd.s32 s31, s7  }
0x6d: {  	s7 =	sshrl.u32 s7, $0x2  }
0x6e: {  	s25 =	ssub.s32 s24, s25;
	s7 =	smul.u32 $0x7, s7  }
0x6f: {  	s25 =	sand.u32 $0xFF, s25  }
0x70: {  	s31 =	smul.u32 $0x6000, s25;
	s7 =	ssub.s32 s24, s7  }
0x71: {  	_ =	swait.ge [sflag:s28], $0x100;
	s7 =	sand.u32 $0xFF, s7  }
0x72: {  	[sflag:s28] =	ssyncset.done $0x0;
	s24 =	sshrl.u32 s31, $0x2;
	s7 =	sshll.u32 s7, $0x8  }
0x73: {  	[sflag:s28] =	ssyncadd.s32 $0xFFFFFF00;
	s24 =	sor.u32 $0x700, s24;
	s7 =	sor.u32 $0x80, s7  }
0x74: {  	[tilespmem:s24], [sflag:$0x2] =	stream.indirect.gather [hbm4b:s6+s29], $0x80, s7, s29, $0xb8;
	[tilespmem:$0x1FE00] =	vst v63  }
.LBB2_6:
0x75: {  	v0 =	vld [tilespmem:s23+$0x0];
	_ =	sdelay $0x4  }
0x76: {  	(xrf1) =	vunique.msk.u32 $0xffff, v0;
	_ =	sdelay $0xd  }
0x77: {  	_, v1, vm0 =	vpop (xrf1);
	_ =	sdelay $0x3  }
0x78: {  	v1 =	vcvt.s32.f32 v1;
	_ =	sdelay $0x1  }
0x79: {  	[tilespmem:v0+s19+$0x0] =	vst.idx.add.f32.msk vm0, v1  }
0x7a: {  	v0 =	vld [tilespmem:s23+$0x10];
	_ =	sdelay $0x4  }
0x7b: {  	(xrf1) =	vunique.msk.u32 $0xffff, v0;
	_ =	sdelay $0xd  }
0x7c: {  	_, v1, vm0 =	vpop (xrf1);
	_ =	sdelay $0x3  }
0x7d: {  	v1 =	vcvt.s32.f32 v1;
	_ =	sdelay $0x1  }
0x7e: {  	[tilespmem:v0+s19+$0x0] =	vst.idx.add.f32.msk vm0, v1  }
0x7f: {  	v0 =	vld [tilespmem:s23+$0x20];
	_ =	sdelay $0x4  }
0x80: {  	(xrf1) =	vunique.msk.u32 $0xffff, v0;
	_ =	sdelay $0xd  }
0x81: {  	s3 =	sadd.s32 $0x1, s3;
	_, v1, vm0 =	vpop (xrf1)  }
0x82: {  	p1 =	sne.s32 s3, $0xD1  }
.Ltmp3:
0x83: {  	_ = 	snop;
	(pc) =	sbr.rel @!p1 .LBB2_7-.Ltmp3, $3  }
0x84: {  	_ = 	snop  }
0x85: {  	v1 =	vcvt.s32.f32 v1;
	_ =	sdelay $0x1  }
0x86: {  	s16 =	sadd.s32 $0x20, s16;
	[tilespmem:v0+s19+$0x0] =	vst.idx.add.f32.msk vm0, v1  }
.LBB2_2:
0x87: {  	s23 =	smul.u32 $0x25, s3;
	_ =	sdelay $0x1  }
0x88: {  	s24 =	smul.u32 $0xAB, s3;
	s23 =	sshrl.u32 s23, $0x8  }
0x89: {  	s25 =	ssub.s32 s3, s23  }
0x8a: {  	s24 =	sshrl.u32 s24, $0xA;
	s25 =	sand.u32 $0xFE, s25  }
0x8b: {  	s24 =	sand.u32 $0x3F, s24;
	s25 =	sshrl.u32 s25, $0x1  }
0x8c: {  	s24 =	smul.u32 $0x6, s24;
	s23 =	sadd.s32 s23, s25  }
0x8d: {  	s23 =	sand.u32 $0xFC, s23  }
0x8e: {  	s24 =	ssub.s32 s3, s24;
	s23 =	sshrl.u32 s23, $0x2  }
0x8f: {  	s24 =	sand.u32 $0xFF, s24;
	s23 =	smul.u32 $0x7, s23  }
0x90: {  	_ =	swait.ge [sflag:s26], $0x1800;
	p1 =	slt.u32 s3, $0x2;
	s24 =	smul.u32 $0x6000, s24  }
0x91: {  	[sflag:s26] =	ssyncset.done $0x0;
	p2 =	sgt.u32 @!p1 s3, $0xCB;
	s23 =	ssub.s32 s3, s23  }
0x92: {  	[sflag:s26] =	ssyncadd.s32 $0xFFFFE800;
	s24 =	sshrl.u32 s24, $0x2;
	s23 =	sand.u32 $0xFF, s23  }
0x93: {  	p2 =	por p1, !p2;
	s24 =	sor.u32 $0x700, s24;
	s23 =	sshll.u32 s23, $0x8  }
0x94: {  	[spmem:s2] =	stream.indirect.scatter.add.f32 [tilespmem:s24], [sflag:$0x3], $0x80, s23, s29, $0xb8;
	[tilespmem:$0x1FE00] =	vst v63  }
.Ltmp4:
0x95: {  	_ = 	snop;
	(pc) =	sbr.rel @p2 .LBB2_3-.Ltmp4, $4  }
0x96: {  	s24 =	simm.s32 @!p1 $0x3  }
0x97: {  	_ =	swait.ge @!p1 [sflag:s24], $0x1800  }
0x98: {  	[sflag:s24] =	ssyncset.done @!p1 $0x0  }
0x99: {  	[sflag:s24] =	ssyncadd.s32 @!p1 $0xFFFFE800  }
0x9a: {  	p1 =	sne.s32 s3, $0xCC  }
.Ltmp5:
0x9b: {  	_ = 	snop;
	(pc) =	sbr.rel @p1 .LBB2_6-.Ltmp5, $4  }
.Ltmp6:
0x9c: {  	_ = 	snop;
	(pc) =	sbr.rel @!p1 .LBB2_5-.Ltmp6, $4  }
0x9d: {  	_ = 	snop  }
0x9e: {  	_ = 	snop  }
0x9f: {  	_ = 	snop  }
0xa0: {  	_ = 	snop  }
.LBB2_8:
0xa1: {  	_ =	sfence.sel $0x180000  }
0xa2: {  	[bflag:$0x0] =	sbarrier.arrive $0xFFFF  }
0xa3: {  	_ =	strace $0x9000004A  }
0xa4: {  	s0 =	stileid.u32;
	[bflag:$0x2] =	sbarrier.arrive $0xFFFF  }
0xa5: {  	p0 =	sne.s32 s0, $0x0;
	s0 =	rddreg [dreg:$0x4]  }
0xa6: {  	s0 =	sadd.s32 @!p0 $0x100000, s0  }
0xa7: {  	[sflag:s0] =	ssyncadd.tile.s32 @!p0 $0x1;
	_ =	shalt  }
.Lfunc_end2:
_tile_overlayer_lowered:
.L_overlay_start_2:
0xa8: {  	(tag) =	ssettag $0x2  }
0xa9: {  	s0 =	rddreg [dreg:$0x0];
	s2 =	stileid.u32  }
0xaa: {  	s1 =	rddreg [dreg:$0x1];
	p0 =	sne.s32 s2, $0x0  }
0xab: {  	s3 =	rddreg [dreg:$0x2];
	[bflag:$0x3] =	sbarrier.arrive $0xFFFF;
	s2 =	simm.s32 @!p0 $0x1C04  }
0xac: {  	[timem:s3], [sflag:s2] =	dma.local @!p0 [hbm:s0], s1  }
0xad: {  	s0 =	simm.s32 @!p0 $0x4  }
0xae: {  	_ =	swait.ge @!p0 [sflag:s0], s1  }
0xaf: {  	s1 =	ssub.s32 @!p0 $0x0, s1;
	[sflag:s0] =	ssyncset.done @!p0 $0x0  }
0xb0: {  	[sflag:s0] =	ssyncadd.s32 @!p0 s1  }
0xb1: {  	[bflag:$0x3] =	sbarrier.arrive $0xFFFF  }
0xb2: {  	_ =	shalt  }

</sc_bundles>
